<compile_context>
chip_gen: v7x
topology: tpu7x:2x2x1
jax: 0.10.2.dev20260603
libtpu: 0.0.44.dev20260713+nightly
codegen_flags: <defaults>
</compile_context>

<pallas_src>
import functools

import jax
import jax.numpy as jnp
from jax import lax
from jax.experimental import pallas as pl
from jax.experimental.pallas import tpu as pltpu
from jax.experimental.pallas import tpu_sc as plsc

_D = 128
_NW = 32
_CHUNK = 128
_NBUF = 5
_LEAD = 2


def _make_gather(b_total):
    rows_per_w = b_total // _NW
    n_chunks = rows_per_w // _CHUNK
    n_groups = n_chunks // _NBUF
    mesh = plsc.VectorSubcoreMesh(core_axis_name="c", subcore_axis_name="s")

    @functools.partial(
        pl.kernel,
        mesh=mesh,
        out_type=jax.ShapeDtypeStruct((b_total, _D), jnp.float32),
        scratch_types=[
            pltpu.VMEM((n_chunks, _CHUNK), jnp.int32),
            pltpu.VMEM((_NBUF, _CHUNK, _D), jnp.float32),
        ]
        + [pltpu.SemaphoreType.DMA] * (2 * _NBUF),
    )
    def gather(idx_hbm, tbl_hbm, out_hbm, idx_v, bufs, *sems):
        gsem = sems[:_NBUF]
        osem = sems[_NBUF:]
        wid = lax.axis_index("s") * 2 + lax.axis_index("c")
        pltpu.sync_copy(idx_hbm.at[wid], idx_v)
        base = wid * rows_per_w

        def fire_gather(j, b):
            pltpu.async_copy(tbl_hbm.at[idx_v.at[j]], bufs.at[b], gsem[b])

        def drain_gather(j, b):
            pltpu.make_async_copy(tbl_hbm.at[idx_v.at[j]], bufs.at[b],
                                  gsem[b]).wait()

        def fire_out(j, b):
            pltpu.async_copy(bufs.at[b],
                             out_hbm.at[pl.ds(base + j * _CHUNK, _CHUNK)],
                             osem[b])

        def drain_out(j, b):
            pltpu.make_async_copy(bufs.at[b],
                                  out_hbm.at[pl.ds(base + j * _CHUNK, _CHUNK)],
                                  osem[b]).wait()

        for b in range(_LEAD):
            fire_gather(b, b)

        def step(j, b, first, last):
            c = (b + _LEAD) % _NBUF
            if not last:
                if not first:
                    drain_out(j + _LEAD - _NBUF, c)
                fire_gather(j + _LEAD, c)
            drain_gather(j, b)
            fire_out(j, b)

        for b in range(_NBUF):
            step(b, b, first=(b + _LEAD < _NBUF), last=False)

        def group(i, carry):
            j0 = i * _NBUF
            for b in range(_NBUF):
                step(j0 + b, b, first=False, last=False)
            return carry

        lax.fori_loop(1, n_groups - 1, group, 0)

        jl = (n_groups - 1) * _NBUF
        for b in range(_NBUF):
            step(jl + b, b, first=False, last=(b + _LEAD >= _NBUF))

        for b in range(_NBUF):
            drain_out(jl + b, b)

    return gather


_gather = _make_gather(4096 * 50)


def kernel(x, input_embedding_table):
    b, h = x.shape
    idx = x.T.reshape(_NW, (b * h) // (_NW * _CHUNK), _CHUNK).astype(jnp.int32)
    out = _gather(idx, input_embedding_table)
    return out.reshape(h, b, _D).transpose(1, 0, 2)

# --- scband reference (transcript-rebuilt; emitter-appended) ---
"""Pipeline reference for scband-embedder-15152644621098 (READ-ONLY COPY).

The authoritative reference and input builder live on the scoring server;
editing this copy changes nothing except your own understanding.
"""

import jax, jax.numpy as jnp
import numpy as np

VOCAB_SIZE = 100000
EMBED_DIM = 128
BATCH = 4096
HIST = 50

def setup_inputs(seed: int = 0) -> dict:
    key = jax.random.key(seed)
    k_idx, k_tbl = jax.random.split(key)
    x = jax.random.randint(k_idx, (BATCH, HIST), 0, VOCAB_SIZE, dtype=jnp.int64 if jax.config.jax_enable_x64 else jnp.int32)
    input_embedding_table = jax.random.normal(k_tbl, (VOCAB_SIZE, EMBED_DIM), dtype=jnp.float32) * 0.01
    return {"x": x, "input_embedding_table": input_embedding_table}

def reference(x, input_embedding_table):
    # Faithful translation of Embedder.encode: self.input_embedding_table[x,]
    return jnp.take(input_embedding_table, x, axis=0)

if __name__ == "__main__":
    import jax
    _d = setup_inputs()
    print(jax.jit(kernel)(*tuple(_d.values())))

</pallas_src>

<mosaic_0001>
#map = affine_map<(d0, d1) -> (0, 0, 0)>
#map1 = affine_map<(d0, d1) -> (0, 0)>
module attributes {stable_mosaic.version = 14 : i64} {
  func.func @gather(%arg0: i32, %arg1: i32, %arg2: memref<32x50x128xi32, #tpu.memory_space<hbm>>, %arg3: memref<100000x128xf32, #tpu.memory_space<hbm>>, %arg4: memref<204800x128xf32, #tpu.memory_space<hbm>>, %arg5: memref<50x128xi32, #tpu.memory_space<vmem>>, %arg6: memref<5x128x128xf32, #tpu.memory_space<vmem>>, %arg7: memref<!tpu.dma_semaphore, #tpu.memory_space<semaphore_mem>>, %arg8: memref<!tpu.dma_semaphore, #tpu.memory_space<semaphore_mem>>, %arg9: memref<!tpu.dma_semaphore, #tpu.memory_space<semaphore_mem>>, %arg10: memref<!tpu.dma_semaphore, #tpu.memory_space<semaphore_mem>>, %arg11: memref<!tpu.dma_semaphore, #tpu.memory_space<semaphore_mem>>, %arg12: memref<!tpu.dma_semaphore, #tpu.memory_space<semaphore_mem>>, %arg13: memref<!tpu.dma_semaphore, #tpu.memory_space<semaphore_mem>>, %arg14: memref<!tpu.dma_semaphore, #tpu.memory_space<semaphore_mem>>, %arg15: memref<!tpu.dma_semaphore, #tpu.memory_space<semaphore_mem>>, %arg16: memref<!tpu.dma_semaphore, #tpu.memory_space<semaphore_mem>>) attributes {dimension_semantics = [#tpu.dimension_semantics<core_parallel>, #tpu.dimension_semantics<subcore_parallel>], iteration_bounds = array<i64: 2, 16>, scalar_prefetch = 0 : i64, scratch_operands = 12 : i64, tpu.core_type = #tpu.core_type<sc_vector_subcore>, window_params = [{transform_indices = #map}, {transform_indices = #map1}, {transform_indices = #map1}]} {
    %mul3A = arith.constant 2 : i32
    %mul3A_0 = arith.muli %arg1, %mul3A : i32
    %add3A = arith.addi %mul3A_0, %arg0 : i32
    "tpu.region"() ({
      %run_scoped3A = tpu.sem_alloc : memref<!tpu.dma_semaphore, #tpu.memory_space<semaphore_mem>>
      %dma_start3A_546 = arith.constant 0 : i32
      %dma_start3A_547 = arith.constant 0 : i32
      %dma_start3A_548 = tpu.memref_slice %arg2[%add3A, %dma_start3A_546, %dma_start3A_547] : memref<32x50x128xi32, #tpu.memory_space<hbm>> -> memref<1x50x128xi32, #tpu.memory_space<hbm>>
      %dma_start3A_549 = tpu.memref_squeeze %dma_start3A_548 : memref<1x50x128xi32, #tpu.memory_space<hbm>> -> memref<50x128xi32, #tpu.memory_space<hbm>>
      %dma_start3A_550 = arith.constant 0 : i32
      %dma_start3A_551 = arith.constant 0 : i32
      %dma_start3A_552 = tpu.memref_slice %arg2[%add3A, %dma_start3A_550, %dma_start3A_551] : memref<32x50x128xi32, #tpu.memory_space<hbm>> -> memref<1x50x128xi32, #tpu.memory_space<hbm>>
      %dma_start3A_553 = tpu.memref_squeeze %dma_start3A_552 : memref<1x50x128xi32, #tpu.memory_space<hbm>> -> memref<50x128xi32, #tpu.memory_space<hbm>>
      tpu.enqueue_dma source(%dma_start3A_553 : memref<50x128xi32, #tpu.memory_space<hbm>>) target(%arg5 : memref<50x128xi32, #tpu.memory_space<vmem>>) target_semaphore(%run_scoped3A : memref<!tpu.dma_semaphore, #tpu.memory_space<semaphore_mem>>)
      %dma_wait3A_554 = arith.constant 0 : i32
      %dma_wait3A_555 = arith.constant 0 : i32
      %dma_wait3A_556 = tpu.memref_slice %arg2[%add3A, %dma_wait3A_554, %dma_wait3A_555] : memref<32x50x128xi32, #tpu.memory_space<hbm>> -> memref<1x50x128xi32, #tpu.memory_space<hbm>>
      %dma_wait3A_557 = tpu.memref_squeeze %dma_wait3A_556 : memref<1x50x128xi32, #tpu.memory_space<hbm>> -> memref<50x128xi32, #tpu.memory_space<hbm>>
      %dma_wait3A_558 = arith.constant 0 : i32
      %dma_wait3A_559 = arith.constant 0 : i32
      %dma_wait3A_560 = tpu.memref_slice %arg2[%add3A, %dma_wait3A_558, %dma_wait3A_559] : memref<32x50x128xi32, #tpu.memory_space<hbm>> -> memref<1x50x128xi32, #tpu.memory_space<hbm>>
      %dma_wait3A_561 = tpu.memref_squeeze %dma_wait3A_560 : memref<1x50x128xi32, #tpu.memory_space<hbm>> -> memref<50x128xi32, #tpu.memory_space<hbm>>
      tpu.wait_dma2 semaphore(%run_scoped3A : memref<!tpu.dma_semaphore, #tpu.memory_space<semaphore_mem>>) src(%dma_wait3A_561 : memref<50x128xi32, #tpu.memory_space<hbm>>) dst(%arg5 : memref<50x128xi32, #tpu.memory_space<vmem>>)
      tpu.yield
    }) : () -> ()
    %mul3A_1 = arith.constant 6400 : i32
    %mul3A_2 = arith.muli %add3A, %mul3A_1 : i32
    %dma_start3A = arith.constant 0 : i32
    %dma_start3A_3 = arith.constant 0 : i32
    %dma_start3A_4 = arith.constant 0 : i32
    %dma_start3A_5 = arith.constant 0 : i32
    %dma_start3A_6 = tpu.memref_slice %arg6[%dma_start3A_3, %dma_start3A_4, %dma_start3A_5] : memref<5x128x128xf32, #tpu.memory_space<vmem>> -> memref<1x128x128xf32, #tpu.memory_space<vmem>>
    %dma_start3A_7 = tpu.memref_squeeze %dma_start3A_6 : memref<1x128x128xf32, #tpu.memory_space<vmem>> -> memref<128x128xf32, #tpu.memory_space<vmem>>
    %dma_start3A_8 = arith.constant 0 : i32
    %dma_start3A_9 = tpu.memref_slice %arg5[%dma_start3A, %dma_start3A_8] : memref<50x128xi32, #tpu.memory_space<vmem>> -> memref<1x128xi32, #tpu.memory_space<vmem>>
    %dma_start3A_10 = tpu.memref_squeeze %dma_start3A_9 : memref<1x128xi32, #tpu.memory_space<vmem>> -> memref<128xi32, #tpu.memory_space<vmem>>
    %dma_start3A_11 = arith.constant 0 : i32
    %dma_start3A_12 = arith.constant 0 : i32
    %dma_start3A_13 = tpu.memref_slice %arg3[%dma_start3A_11, %dma_start3A_12] : memref<100000x128xf32, #tpu.memory_space<hbm>> -> memref<100000x128xf32, #tpu.memory_space<hbm>>
    tpu.enqueue_indirect_dma source(%dma_start3A_13 : memref<100000x128xf32, #tpu.memory_space<hbm>>) target(%dma_start3A_7 : memref<128x128xf32, #tpu.memory_space<vmem>>) offsets(%dma_start3A_10 : memref<128xi32, #tpu.memory_space<vmem>>) semaphore(%arg7 : memref<!tpu.dma_semaphore, #tpu.memory_space<semaphore_mem>>)
    %dma_start3A_14 = arith.constant 1 : i32
    %dma_start3A_15 = arith.constant 1 : i32
    %dma_start3A_16 = arith.constant 0 : i32
    %dma_start3A_17 = arith.constant 0 : i32
    %dma_start3A_18 = tpu.memref_slice %arg6[%dma_start3A_15, %dma_start3A_16, %dma_start3A_17] : memref<5x128x128xf32, #tpu.memory_space<vmem>> -> memref<1x128x128xf32, #tpu.memory_space<vmem>>
    %dma_start3A_19 = tpu.memref_squeeze %dma_start3A_18 : memref<1x128x128xf32, #tpu.memory_space<vmem>> -> memref<128x128xf32, #tpu.memory_space<vmem>>
    %dma_start3A_20 = arith.constant 0 : i32
    %dma_start3A_21 = tpu.memref_slice %arg5[%dma_start3A_14, %dma_start3A_20] : memref<50x128xi32, #tpu.memory_space<vmem>> -> memref<1x128xi32, #tpu.memory_space<vmem>>
    %dma_start3A_22 = tpu.memref_squeeze %dma_start3A_21 : memref<1x128xi32, #tpu.memory_space<vmem>> -> memref<128xi32, #tpu.memory_space<vmem>>
    %dma_start3A_23 = arith.constant 0 : i32
    %dma_start3A_24 = arith.constant 0 : i32
    %dma_start3A_25 = tpu.memref_slice %arg3[%dma_start3A_23, %dma_start3A_24] : memref<100000x128xf32, #tpu.memory_space<hbm>> -> memref<100000x128xf32, #tpu.memory_space<hbm>>
    tpu.enqueue_indirect_dma source(%dma_start3A_25 : memref<100000x128xf32, #tpu.memory_space<hbm>>) target(%dma_start3A_19 : memref<128x128xf32, #tpu.memory_space<vmem>>) offsets(%dma_start3A_22 : memref<128xi32, #tpu.memory_space<vmem>>) semaphore(%arg8 : memref<!tpu.dma_semaphore, #tpu.memory_space<semaphore_mem>>)
    %dma_start3A_26 = arith.constant 2 : i32
    %dma_start3A_27 = arith.constant 2 : i32
    %dma_start3A_28 = arith.constant 0 : i32
    %dma_start3A_29 = arith.constant 0 : i32
    %dma_start3A_30 = tpu.memref_slice %arg6[%dma_start3A_27, %dma_start3A_28, %dma_start3A_29] : memref<5x128x128xf32, #tpu.memory_space<vmem>> -> memref<1x128x128xf32, #tpu.memory_space<vmem>>
    %dma_start3A_31 = tpu.memref_squeeze %dma_start3A_30 : memref<1x128x128xf32, #tpu.memory_space<vmem>> -> memref<128x128xf32, #tpu.memory_space<vmem>>
    %dma_start3A_32 = arith.constant 0 : i32
    %dma_start3A_33 = tpu.memref_slice %arg5[%dma_start3A_26, %dma_start3A_32] : memref<50x128xi32, #tpu.memory_space<vmem>> -> memref<1x128xi32, #tpu.memory_space<vmem>>
    %dma_start3A_34 = tpu.memref_squeeze %dma_start3A_33 : memref<1x128xi32, #tpu.memory_space<vmem>> -> memref<128xi32, #tpu.memory_space<vmem>>
    %dma_start3A_35 = arith.constant 0 : i32
    %dma_start3A_36 = arith.constant 0 : i32
    %dma_start3A_37 = tpu.memref_slice %arg3[%dma_start3A_35, %dma_start3A_36] : memref<100000x128xf32, #tpu.memory_space<hbm>> -> memref<100000x128xf32, #tpu.memory_space<hbm>>
    tpu.enqueue_indirect_dma source(%dma_start3A_37 : memref<100000x128xf32, #tpu.memory_space<hbm>>) target(%dma_start3A_31 : memref<128x128xf32, #tpu.memory_space<vmem>>) offsets(%dma_start3A_34 : memref<128xi32, #tpu.memory_space<vmem>>) semaphore(%arg9 : memref<!tpu.dma_semaphore, #tpu.memory_space<semaphore_mem>>)
    %dma_wait3A = arith.constant 0 : i32
    %dma_wait3A_38 = arith.constant 0 : i32
    %dma_wait3A_39 = arith.constant 0 : i32
    %dma_wait3A_40 = arith.constant 0 : i32
    %dma_wait3A_41 = tpu.memref_slice %arg6[%dma_wait3A_38, %dma_wait3A_39, %dma_wait3A_40] : memref<5x128x128xf32, #tpu.memory_space<vmem>> -> memref<1x128x128xf32, #tpu.memory_space<vmem>>
    %dma_wait3A_42 = tpu.memref_squeeze %dma_wait3A_41 : memref<1x128x128xf32, #tpu.memory_space<vmem>> -> memref<128x128xf32, #tpu.memory_space<vmem>>
    %dma_wait3A_43 = arith.constant 0 : i32
    %dma_wait3A_44 = tpu.memref_slice %arg5[%dma_wait3A, %dma_wait3A_43] : memref<50x128xi32, #tpu.memory_space<vmem>> -> memref<1x128xi32, #tpu.memory_space<vmem>>
    %dma_wait3A_45 = tpu.memref_squeeze %dma_wait3A_44 : memref<1x128xi32, #tpu.memory_space<vmem>> -> memref<128xi32, #tpu.memory_space<vmem>>
    %dma_wait3A_46 = arith.constant 0 : i32
    %dma_wait3A_47 = arith.constant 0 : i32
    %dma_wait3A_48 = tpu.memref_slice %arg3[%dma_wait3A_46, %dma_wait3A_47] : memref<100000x128xf32, #tpu.memory_space<hbm>> -> memref<100000x128xf32, #tpu.memory_space<hbm>>
    tpu.wait_indirect_dma semaphore(%arg7 : memref<!tpu.dma_semaphore, #tpu.memory_space<semaphore_mem>>) src(%dma_wait3A_48 : memref<100000x128xf32, #tpu.memory_space<hbm>>) dst(%dma_wait3A_42 : memref<128x128xf32, #tpu.memory_space<vmem>>)
    %add3A_49 = arith.constant 0 : i32
    %add3A_50 = arith.addi %mul3A_2, %add3A_49 : i32
    %dma_start3A_51 = arith.constant 0 : i32
    %dma_start3A_52 = arith.constant 0 : i32
    %dma_start3A_53 = arith.constant 0 : i32
    %dma_start3A_54 = tpu.memref_slice %arg6[%dma_start3A_51, %dma_start3A_52, %dma_start3A_53] : memref<5x128x128xf32, #tpu.memory_space<vmem>> -> memref<1x128x128xf32, #tpu.memory_space<vmem>>
    %dma_start3A_55 = tpu.memref_squeeze %dma_start3A_54 : memref<1x128x128xf32, #tpu.memory_space<vmem>> -> memref<128x128xf32, #tpu.memory_space<vmem>>
    %dma_start3A_56 = arith.constant 0 : i32
    %dma_start3A_57 = tpu.memref_slice %arg4[%add3A_50, %dma_start3A_56] : memref<204800x128xf32, #tpu.memory_space<hbm>> -> memref<128x128xf32, #tpu.memory_space<hbm>>
    %dma_start3A_58 = arith.constant 0 : i32
    %dma_start3A_59 = tpu.memref_slice %arg4[%add3A_50, %dma_start3A_58] : memref<204800x128xf32, #tpu.memory_space<hbm>> -> memref<128x128xf32, #tpu.memory_space<hbm>>
    %dma_start3A_60 = arith.constant 0 : i32
    %dma_start3A_61 = arith.constant 0 : i32
    %dma_start3A_62 = tpu.memref_slice %arg6[%dma_start3A_51, %dma_start3A_60, %dma_start3A_61] : memref<5x128x128xf32, #tpu.memory_space<vmem>> -> memref<1x128x128xf32, #tpu.memory_space<vmem>>
    %dma_start3A_63 = tpu.memref_squeeze %dma_start3A_62 : memref<1x128x128xf32, #tpu.memory_space<vmem>> -> memref<128x128xf32, #tpu.memory_space<vmem>>
    tpu.enqueue_dma source(%dma_start3A_63 : memref<128x128xf32, #tpu.memory_space<vmem>>) target(%dma_start3A_59 : memref<128x128xf32, #tpu.memory_space<hbm>>) target_semaphore(%arg12 : memref<!tpu.dma_semaphore, #tpu.memory_space<semaphore_mem>>)
    %dma_start3A_64 = arith.constant 3 : i32
    %dma_start3A_65 = arith.constant 3 : i32
    %dma_start3A_66 = arith.constant 0 : i32
    %dma_start3A_67 = arith.constant 0 : i32
    %dma_start3A_68 = tpu.memref_slice %arg6[%dma_start3A_65, %dma_start3A_66, %dma_start3A_67] : memref<5x128x128xf32, #tpu.memory_space<vmem>> -> memref<1x128x128xf32, #tpu.memory_space<vmem>>
    %dma_start3A_69 = tpu.memref_squeeze %dma_start3A_68 : memref<1x128x128xf32, #tpu.memory_space<vmem>> -> memref<128x128xf32, #tpu.memory_space<vmem>>
    %dma_start3A_70 = arith.constant 0 : i32
    %dma_start3A_71 = tpu.memref_slice %arg5[%dma_start3A_64, %dma_start3A_70] : memref<50x128xi32, #tpu.memory_space<vmem>> -> memref<1x128xi32, #tpu.memory_space<vmem>>
    %dma_start3A_72 = tpu.memref_squeeze %dma_start3A_71 : memref<1x128xi32, #tpu.memory_space<vmem>> -> memref<128xi32, #tpu.memory_space<vmem>>
    %dma_start3A_73 = arith.constant 0 : i32
    %dma_start3A_74 = arith.constant 0 : i32
    %dma_start3A_75 = tpu.memref_slice %arg3[%dma_start3A_73, %dma_start3A_74] : memref<100000x128xf32, #tpu.memory_space<hbm>> -> memref<100000x128xf32, #tpu.memory_space<hbm>>
    tpu.enqueue_indirect_dma source(%dma_start3A_75 : memref<100000x128xf32, #tpu.memory_space<hbm>>) target(%dma_start3A_69 : memref<128x128xf32, #tpu.memory_space<vmem>>) offsets(%dma_start3A_72 : memref<128xi32, #tpu.memory_space<vmem>>) semaphore(%arg10 : memref<!tpu.dma_semaphore, #tpu.memory_space<semaphore_mem>>)
    %dma_wait3A_76 = arith.constant 1 : i32
    %dma_wait3A_77 = arith.constant 1 : i32
    %dma_wait3A_78 = arith.constant 0 : i32
    %dma_wait3A_79 = arith.constant 0 : i32
    %dma_wait3A_80 = tpu.memref_slice %arg6[%dma_wait3A_77, %dma_wait3A_78, %dma_wait3A_79] : memref<5x128x128xf32, #tpu.memory_space<vmem>> -> memref<1x128x128xf32, #tpu.memory_space<vmem>>
    %dma_wait3A_81 = tpu.memref_squeeze %dma_wait3A_80 : memref<1x128x128xf32, #tpu.memory_space<vmem>> -> memref<128x128xf32, #tpu.memory_space<vmem>>
    %dma_wait3A_82 = arith.constant 0 : i32
    %dma_wait3A_83 = tpu.memref_slice %arg5[%dma_wait3A_76, %dma_wait3A_82] : memref<50x128xi32, #tpu.memory_space<vmem>> -> memref<1x128xi32, #tpu.memory_space<vmem>>
    %dma_wait3A_84 = tpu.memref_squeeze %dma_wait3A_83 : memref<1x128xi32, #tpu.memory_space<vmem>> -> memref<128xi32, #tpu.memory_space<vmem>>
    %dma_wait3A_85 = arith.constant 0 : i32
    %dma_wait3A_86 = arith.constant 0 : i32
    %dma_wait3A_87 = tpu.memref_slice %arg3[%dma_wait3A_85, %dma_wait3A_86] : memref<100000x128xf32, #tpu.memory_space<hbm>> -> memref<100000x128xf32, #tpu.memory_space<hbm>>
    tpu.wait_indirect_dma semaphore(%arg8 : memref<!tpu.dma_semaphore, #tpu.memory_space<semaphore_mem>>) src(%dma_wait3A_87 : memref<100000x128xf32, #tpu.memory_space<hbm>>) dst(%dma_wait3A_81 : memref<128x128xf32, #tpu.memory_space<vmem>>)
    %add3A_88 = arith.constant 128 : i32
    %add3A_89 = arith.addi %mul3A_2, %add3A_88 : i32
    %dma_start3A_90 = arith.constant 1 : i32
    %dma_start3A_91 = arith.constant 0 : i32
    %dma_start3A_92 = arith.constant 0 : i32
    %dma_start3A_93 = tpu.memref_slice %arg6[%dma_start3A_90, %dma_start3A_91, %dma_start3A_92] : memref<5x128x128xf32, #tpu.memory_space<vmem>> -> memref<1x128x128xf32, #tpu.memory_space<vmem>>
    %dma_start3A_94 = tpu.memref_squeeze %dma_start3A_93 : memref<1x128x128xf32, #tpu.memory_space<vmem>> -> memref<128x128xf32, #tpu.memory_space<vmem>>
    %dma_start3A_95 = arith.constant 0 : i32
    %dma_start3A_96 = tpu.memref_slice %arg4[%add3A_89, %dma_start3A_95] : memref<204800x128xf32, #tpu.memory_space<hbm>> -> memref<128x128xf32, #tpu.memory_space<hbm>>
    %dma_start3A_97 = arith.constant 0 : i32
    %dma_start3A_98 = tpu.memref_slice %arg4[%add3A_89, %dma_start3A_97] : memref<204800x128xf32, #tpu.memory_space<hbm>> -> memref<128x128xf32, #tpu.memory_space<hbm>>
    %dma_start3A_99 = arith.constant 0 : i32
    %dma_start3A_100 = arith.constant 0 : i32
    %dma_start3A_101 = tpu.memref_slice %arg6[%dma_start3A_90, %dma_start3A_99, %dma_start3A_100] : memref<5x128x128xf32, #tpu.memory_space<vmem>> -> memref<1x128x128xf32, #tpu.memory_space<vmem>>
    %dma_start3A_102 = tpu.memref_squeeze %dma_start3A_101 : memref<1x128x128xf32, #tpu.memory_space<vmem>> -> memref<128x128xf32, #tpu.memory_space<vmem>>
    tpu.enqueue_dma source(%dma_start3A_102 : memref<128x128xf32, #tpu.memory_space<vmem>>) target(%dma_start3A_98 : memref<128x128xf32, #tpu.memory_space<hbm>>) target_semaphore(%arg13 : memref<!tpu.dma_semaphore, #tpu.memory_space<semaphore_mem>>)
    %dma_start3A_103 = arith.constant 4 : i32
    %dma_start3A_104 = arith.constant 4 : i32
    %dma_start3A_105 = arith.constant 0 : i32
    %dma_start3A_106 = arith.constant 0 : i32
    %dma_start3A_107 = tpu.memref_slice %arg6[%dma_start3A_104, %dma_start3A_105, %dma_start3A_106] : memref<5x128x128xf32, #tpu.memory_space<vmem>> -> memref<1x128x128xf32, #tpu.memory_space<vmem>>
    %dma_start3A_108 = tpu.memref_squeeze %dma_start3A_107 : memref<1x128x128xf32, #tpu.memory_space<vmem>> -> memref<128x128xf32, #tpu.memory_space<vmem>>
    %dma_start3A_109 = arith.constant 0 : i32
    %dma_start3A_110 = tpu.memref_slice %arg5[%dma_start3A_103, %dma_start3A_109] : memref<50x128xi32, #tpu.memory_space<vmem>> -> memref<1x128xi32, #tpu.memory_space<vmem>>
    %dma_start3A_111 = tpu.memref_squeeze %dma_start3A_110 : memref<1x128xi32, #tpu.memory_space<vmem>> -> memref<128xi32, #tpu.memory_space<vmem>>
    %dma_start3A_112 = arith.constant 0 : i32
    %dma_start3A_113 = arith.constant 0 : i32
    %dma_start3A_114 = tpu.memref_slice %arg3[%dma_start3A_112, %dma_start3A_113] : memref<100000x128xf32, #tpu.memory_space<hbm>> -> memref<100000x128xf32, #tpu.memory_space<hbm>>
    tpu.enqueue_indirect_dma source(%dma_start3A_114 : memref<100000x128xf32, #tpu.memory_space<hbm>>) target(%dma_start3A_108 : memref<128x128xf32, #tpu.memory_space<vmem>>) offsets(%dma_start3A_111 : memref<128xi32, #tpu.memory_space<vmem>>) semaphore(%arg11 : memref<!tpu.dma_semaphore, #tpu.memory_space<semaphore_mem>>)
    %dma_wait3A_115 = arith.constant 2 : i32
    %dma_wait3A_116 = arith.constant 2 : i32
    %dma_wait3A_117 = arith.constant 0 : i32
    %dma_wait3A_118 = arith.constant 0 : i32
    %dma_wait3A_119 = tpu.memref_slice %arg6[%dma_wait3A_116, %dma_wait3A_117, %dma_wait3A_118] : memref<5x128x128xf32, #tpu.memory_space<vmem>> -> memref<1x128x128xf32, #tpu.memory_space<vmem>>
    %dma_wait3A_120 = tpu.memref_squeeze %dma_wait3A_119 : memref<1x128x128xf32, #tpu.memory_space<vmem>> -> memref<128x128xf32, #tpu.memory_space<vmem>>
    %dma_wait3A_121 = arith.constant 0 : i32
    %dma_wait3A_122 = tpu.memref_slice %arg5[%dma_wait3A_115, %dma_wait3A_121] : memref<50x128xi32, #tpu.memory_space<vmem>> -> memref<1x128xi32, #tpu.memory_space<vmem>>
    %dma_wait3A_123 = tpu.memref_squeeze %dma_wait3A_122 : memref<1x128xi32, #tpu.memory_space<vmem>> -> memref<128xi32, #tpu.memory_space<vmem>>
    %dma_wait3A_124 = arith.constant 0 : i32
    %dma_wait3A_125 = arith.constant 0 : i32
    %dma_wait3A_126 = tpu.memref_slice %arg3[%dma_wait3A_124, %dma_wait3A_125] : memref<100000x128xf32, #tpu.memory_space<hbm>> -> memref<100000x128xf32, #tpu.memory_space<hbm>>
    tpu.wait_indirect_dma semaphore(%arg9 : memref<!tpu.dma_semaphore, #tpu.memory_space<semaphore_mem>>) src(%dma_wait3A_126 : memref<100000x128xf32, #tpu.memory_space<hbm>>) dst(%dma_wait3A_120 : memref<128x128xf32, #tpu.memory_space<vmem>>)
    %add3A_127 = arith.constant 256 : i32
    %add3A_128 = arith.addi %mul3A_2, %add3A_127 : i32
    %dma_start3A_129 = arith.constant 2 : i32
    %dma_start3A_130 = arith.constant 0 : i32
    %dma_start3A_131 = arith.constant 0 : i32
    %dma_start3A_132 = tpu.memref_slice %arg6[%dma_start3A_129, %dma_start3A_130, %dma_start3A_131] : memref<5x128x128xf32, #tpu.memory_space<vmem>> -> memref<1x128x128xf32, #tpu.memory_space<vmem>>
    %dma_start3A_133 = tpu.memref_squeeze %dma_start3A_132 : memref<1x128x128xf32, #tpu.memory_space<vmem>> -> memref<128x128xf32, #tpu.memory_space<vmem>>
    %dma_start3A_134 = arith.constant 0 : i32
    %dma_start3A_135 = tpu.memref_slice %arg4[%add3A_128, %dma_start3A_134] : memref<204800x128xf32, #tpu.memory_space<hbm>> -> memref<128x128xf32, #tpu.memory_space<hbm>>
    %dma_start3A_136 = arith.constant 0 : i32
    %dma_start3A_137 = tpu.memref_slice %arg4[%add3A_128, %dma_start3A_136] : memref<204800x128xf32, #tpu.memory_space<hbm>> -> memref<128x128xf32, #tpu.memory_space<hbm>>
    %dma_start3A_138 = arith.constant 0 : i32
    %dma_start3A_139 = arith.constant 0 : i32
    %dma_start3A_140 = tpu.memref_slice %arg6[%dma_start3A_129, %dma_start3A_138, %dma_start3A_139] : memref<5x128x128xf32, #tpu.memory_space<vmem>> -> memref<1x128x128xf32, #tpu.memory_space<vmem>>
    %dma_start3A_141 = tpu.memref_squeeze %dma_start3A_140 : memref<1x128x128xf32, #tpu.memory_space<vmem>> -> memref<128x128xf32, #tpu.memory_space<vmem>>
    tpu.enqueue_dma source(%dma_start3A_141 : memref<128x128xf32, #tpu.memory_space<vmem>>) target(%dma_start3A_137 : memref<128x128xf32, #tpu.memory_space<hbm>>) target_semaphore(%arg14 : memref<!tpu.dma_semaphore, #tpu.memory_space<semaphore_mem>>)
    %add3A_142 = arith.constant 0 : i32
    %add3A_143 = arith.addi %mul3A_2, %add3A_142 : i32
    %dma_wait3A_144 = arith.constant 0 : i32
    %dma_wait3A_145 = arith.constant 0 : i32
    %dma_wait3A_146 = arith.constant 0 : i32
    %dma_wait3A_147 = tpu.memref_slice %arg6[%dma_wait3A_144, %dma_wait3A_145, %dma_wait3A_146] : memref<5x128x128xf32, #tpu.memory_space<vmem>> -> memref<1x128x128xf32, #tpu.memory_space<vmem>>
    %dma_wait3A_148 = tpu.memref_squeeze %dma_wait3A_147 : memref<1x128x128xf32, #tpu.memory_space<vmem>> -> memref<128x128xf32, #tpu.memory_space<vmem>>
    %dma_wait3A_149 = arith.constant 0 : i32
    %dma_wait3A_150 = tpu.memref_slice %arg4[%add3A_143, %dma_wait3A_149] : memref<204800x128xf32, #tpu.memory_space<hbm>> -> memref<128x128xf32, #tpu.memory_space<hbm>>
    %dma_wait3A_151 = arith.constant 0 : i32
    %dma_wait3A_152 = tpu.memref_slice %arg4[%add3A_143, %dma_wait3A_151] : memref<204800x128xf32, #tpu.memory_space<hbm>> -> memref<128x128xf32, #tpu.memory_space<hbm>>
    %dma_wait3A_153 = arith.constant 0 : i32
    %dma_wait3A_154 = arith.constant 0 : i32
    %dma_wait3A_155 = tpu.memref_slice %arg6[%dma_wait3A_144, %dma_wait3A_153, %dma_wait3A_154] : memref<5x128x128xf32, #tpu.memory_space<vmem>> -> memref<1x128x128xf32, #tpu.memory_space<vmem>>
    %dma_wait3A_156 = tpu.memref_squeeze %dma_wait3A_155 : memref<1x128x128xf32, #tpu.memory_space<vmem>> -> memref<128x128xf32, #tpu.memory_space<vmem>>
    tpu.wait_dma2 semaphore(%arg12 : memref<!tpu.dma_semaphore, #tpu.memory_space<semaphore_mem>>) src(%dma_wait3A_156 : memref<128x128xf32, #tpu.memory_space<vmem>>) dst(%dma_wait3A_152 : memref<128x128xf32, #tpu.memory_space<hbm>>)
    %dma_start3A_157 = arith.constant 5 : i32
    %dma_start3A_158 = arith.constant 0 : i32
    %dma_start3A_159 = arith.constant 0 : i32
    %dma_start3A_160 = arith.constant 0 : i32
    %dma_start3A_161 = tpu.memref_slice %arg6[%dma_start3A_158, %dma_start3A_159, %dma_start3A_160] : memref<5x128x128xf32, #tpu.memory_space<vmem>> -> memref<1x128x128xf32, #tpu.memory_space<vmem>>
    %dma_start3A_162 = tpu.memref_squeeze %dma_start3A_161 : memref<1x128x128xf32, #tpu.memory_space<vmem>> -> memref<128x128xf32, #tpu.memory_space<vmem>>
    %dma_start3A_163 = arith.constant 0 : i32
    %dma_start3A_164 = tpu.memref_slice %arg5[%dma_start3A_157, %dma_start3A_163] : memref<50x128xi32, #tpu.memory_space<vmem>> -> memref<1x128xi32, #tpu.memory_space<vmem>>
    %dma_start3A_165 = tpu.memref_squeeze %dma_start3A_164 : memref<1x128xi32, #tpu.memory_space<vmem>> -> memref<128xi32, #tpu.memory_space<vmem>>
    %dma_start3A_166 = arith.constant 0 : i32
    %dma_start3A_167 = arith.constant 0 : i32
    %dma_start3A_168 = tpu.memref_slice %arg3[%dma_start3A_166, %dma_start3A_167] : memref<100000x128xf32, #tpu.memory_space<hbm>> -> memref<100000x128xf32, #tpu.memory_space<hbm>>
    tpu.enqueue_indirect_dma source(%dma_start3A_168 : memref<100000x128xf32, #tpu.memory_space<hbm>>) target(%dma_start3A_162 : memref<128x128xf32, #tpu.memory_space<vmem>>) offsets(%dma_start3A_165 : memref<128xi32, #tpu.memory_space<vmem>>) semaphore(%arg7 : memref<!tpu.dma_semaphore, #tpu.memory_space<semaphore_mem>>)
    %dma_wait3A_169 = arith.constant 3 : i32
    %dma_wait3A_170 = arith.constant 3 : i32
    %dma_wait3A_171 = arith.constant 0 : i32
    %dma_wait3A_172 = arith.constant 0 : i32
    %dma_wait3A_173 = tpu.memref_slice %arg6[%dma_wait3A_170, %dma_wait3A_171, %dma_wait3A_172] : memref<5x128x128xf32, #tpu.memory_space<vmem>> -> memref<1x128x128xf32, #tpu.memory_space<vmem>>
    %dma_wait3A_174 = tpu.memref_squeeze %dma_wait3A_173 : memref<1x128x128xf32, #tpu.memory_space<vmem>> -> memref<128x128xf32, #tpu.memory_space<vmem>>
    %dma_wait3A_175 = arith.constant 0 : i32
    %dma_wait3A_176 = tpu.memref_slice %arg5[%dma_wait3A_169, %dma_wait3A_175] : memref<50x128xi32, #tpu.memory_space<vmem>> -> memref<1x128xi32, #tpu.memory_space<vmem>>
    %dma_wait3A_177 = tpu.memref_squeeze %dma_wait3A_176 : memref<1x128xi32, #tpu.memory_space<vmem>> -> memref<128xi32, #tpu.memory_space<vmem>>
    %dma_wait3A_178 = arith.constant 0 : i32
    %dma_wait3A_179 = arith.constant 0 : i32
    %dma_wait3A_180 = tpu.memref_slice %arg3[%dma_wait3A_178, %dma_wait3A_179] : memref<100000x128xf32, #tpu.memory_space<hbm>> -> memref<100000x128xf32, #tpu.memory_space<hbm>>
    tpu.wait_indirect_dma semaphore(%arg10 : memref<!tpu.dma_semaphore, #tpu.memory_space<semaphore_mem>>) src(%dma_wait3A_180 : memref<100000x128xf32, #tpu.memory_space<hbm>>) dst(%dma_wait3A_174 : memref<128x128xf32, #tpu.memory_space<vmem>>)
    %add3A_181 = arith.constant 384 : i32
    %add3A_182 = arith.addi %mul3A_2, %add3A_181 : i32
    %dma_start3A_183 = arith.constant 3 : i32
    %dma_start3A_184 = arith.constant 0 : i32
    %dma_start3A_185 = arith.constant 0 : i32
    %dma_start3A_186 = tpu.memref_slice %arg6[%dma_start3A_183, %dma_start3A_184, %dma_start3A_185] : memref<5x128x128xf32, #tpu.memory_space<vmem>> -> memref<1x128x128xf32, #tpu.memory_space<vmem>>
    %dma_start3A_187 = tpu.memref_squeeze %dma_start3A_186 : memref<1x128x128xf32, #tpu.memory_space<vmem>> -> memref<128x128xf32, #tpu.memory_space<vmem>>
    %dma_start3A_188 = arith.constant 0 : i32
    %dma_start3A_189 = tpu.memref_slice %arg4[%add3A_182, %dma_start3A_188] : memref<204800x128xf32, #tpu.memory_space<hbm>> -> memref<128x128xf32, #tpu.memory_space<hbm>>
    %dma_start3A_190 = arith.constant 0 : i32
    %dma_start3A_191 = tpu.memref_slice %arg4[%add3A_182, %dma_start3A_190] : memref<204800x128xf32, #tpu.memory_space<hbm>> -> memref<128x128xf32, #tpu.memory_space<hbm>>
    %dma_start3A_192 = arith.constant 0 : i32
    %dma_start3A_193 = arith.constant 0 : i32
    %dma_start3A_194 = tpu.memref_slice %arg6[%dma_start3A_183, %dma_start3A_192, %dma_start3A_193] : memref<5x128x128xf32, #tpu.memory_space<vmem>> -> memref<1x128x128xf32, #tpu.memory_space<vmem>>
    %dma_start3A_195 = tpu.memref_squeeze %dma_start3A_194 : memref<1x128x128xf32, #tpu.memory_space<vmem>> -> memref<128x128xf32, #tpu.memory_space<vmem>>
    tpu.enqueue_dma source(%dma_start3A_195 : memref<128x128xf32, #tpu.memory_space<vmem>>) target(%dma_start3A_191 : memref<128x128xf32, #tpu.memory_space<hbm>>) target_semaphore(%arg15 : memref<!tpu.dma_semaphore, #tpu.memory_space<semaphore_mem>>)
    %add3A_196 = arith.constant 128 : i32
    %add3A_197 = arith.addi %mul3A_2, %add3A_196 : i32
    %dma_wait3A_198 = arith.constant 1 : i32
    %dma_wait3A_199 = arith.constant 0 : i32
    %dma_wait3A_200 = arith.constant 0 : i32
    %dma_wait3A_201 = tpu.memref_slice %arg6[%dma_wait3A_198, %dma_wait3A_199, %dma_wait3A_200] : memref<5x128x128xf32, #tpu.memory_space<vmem>> -> memref<1x128x128xf32, #tpu.memory_space<vmem>>
    %dma_wait3A_202 = tpu.memref_squeeze %dma_wait3A_201 : memref<1x128x128xf32, #tpu.memory_space<vmem>> -> memref<128x128xf32, #tpu.memory_space<vmem>>
    %dma_wait3A_203 = arith.constant 0 : i32
    %dma_wait3A_204 = tpu.memref_slice %arg4[%add3A_197, %dma_wait3A_203] : memref<204800x128xf32, #tpu.memory_space<hbm>> -> memref<128x128xf32, #tpu.memory_space<hbm>>
    %dma_wait3A_205 = arith.constant 0 : i32
    %dma_wait3A_206 = tpu.memref_slice %arg4[%add3A_197, %dma_wait3A_205] : memref<204800x128xf32, #tpu.memory_space<hbm>> -> memref<128x128xf32, #tpu.memory_space<hbm>>
    %dma_wait3A_207 = arith.constant 0 : i32
    %dma_wait3A_208 = arith.constant 0 : i32
    %dma_wait3A_209 = tpu.memref_slice %arg6[%dma_wait3A_198, %dma_wait3A_207, %dma_wait3A_208] : memref<5x128x128xf32, #tpu.memory_space<vmem>> -> memref<1x128x128xf32, #tpu.memory_space<vmem>>
    %dma_wait3A_210 = tpu.memref_squeeze %dma_wait3A_209 : memref<1x128x128xf32, #tpu.memory_space<vmem>> -> memref<128x128xf32, #tpu.memory_space<vmem>>
    tpu.wait_dma2 semaphore(%arg13 : memref<!tpu.dma_semaphore, #tpu.memory_space<semaphore_mem>>) src(%dma_wait3A_210 : memref<128x128xf32, #tpu.memory_space<vmem>>) dst(%dma_wait3A_206 : memref<128x128xf32, #tpu.memory_space<hbm>>)
    %dma_start3A_211 = arith.constant 6 : i32
    %dma_start3A_212 = arith.constant 1 : i32
    %dma_start3A_213 = arith.constant 0 : i32
    %dma_start3A_214 = arith.constant 0 : i32
    %dma_start3A_215 = tpu.memref_slice %arg6[%dma_start3A_212, %dma_start3A_213, %dma_start3A_214] : memref<5x128x128xf32, #tpu.memory_space<vmem>> -> memref<1x128x128xf32, #tpu.memory_space<vmem>>
    %dma_start3A_216 = tpu.memref_squeeze %dma_start3A_215 : memref<1x128x128xf32, #tpu.memory_space<vmem>> -> memref<128x128xf32, #tpu.memory_space<vmem>>
    %dma_start3A_217 = arith.constant 0 : i32
    %dma_start3A_218 = tpu.memref_slice %arg5[%dma_start3A_211, %dma_start3A_217] : memref<50x128xi32, #tpu.memory_space<vmem>> -> memref<1x128xi32, #tpu.memory_space<vmem>>
    %dma_start3A_219 = tpu.memref_squeeze %dma_start3A_218 : memref<1x128xi32, #tpu.memory_space<vmem>> -> memref<128xi32, #tpu.memory_space<vmem>>
    %dma_start3A_220 = arith.constant 0 : i32
    %dma_start3A_221 = arith.constant 0 : i32
    %dma_start3A_222 = tpu.memref_slice %arg3[%dma_start3A_220, %dma_start3A_221] : memref<100000x128xf32, #tpu.memory_space<hbm>> -> memref<100000x128xf32, #tpu.memory_space<hbm>>
    tpu.enqueue_indirect_dma source(%dma_start3A_222 : memref<100000x128xf32, #tpu.memory_space<hbm>>) target(%dma_start3A_216 : memref<128x128xf32, #tpu.memory_space<vmem>>) offsets(%dma_start3A_219 : memref<128xi32, #tpu.memory_space<vmem>>) semaphore(%arg8 : memref<!tpu.dma_semaphore, #tpu.memory_space<semaphore_mem>>)
    %dma_wait3A_223 = arith.constant 4 : i32
    %dma_wait3A_224 = arith.constant 4 : i32
    %dma_wait3A_225 = arith.constant 0 : i32
    %dma_wait3A_226 = arith.constant 0 : i32
    %dma_wait3A_227 = tpu.memref_slice %arg6[%dma_wait3A_224, %dma_wait3A_225, %dma_wait3A_226] : memref<5x128x128xf32, #tpu.memory_space<vmem>> -> memref<1x128x128xf32, #tpu.memory_space<vmem>>
    %dma_wait3A_228 = tpu.memref_squeeze %dma_wait3A_227 : memref<1x128x128xf32, #tpu.memory_space<vmem>> -> memref<128x128xf32, #tpu.memory_space<vmem>>
    %dma_wait3A_229 = arith.constant 0 : i32
    %dma_wait3A_230 = tpu.memref_slice %arg5[%dma_wait3A_223, %dma_wait3A_229] : memref<50x128xi32, #tpu.memory_space<vmem>> -> memref<1x128xi32, #tpu.memory_space<vmem>>
    %dma_wait3A_231 = tpu.memref_squeeze %dma_wait3A_230 : memref<1x128xi32, #tpu.memory_space<vmem>> -> memref<128xi32, #tpu.memory_space<vmem>>
    %dma_wait3A_232 = arith.constant 0 : i32
    %dma_wait3A_233 = arith.constant 0 : i32
    %dma_wait3A_234 = tpu.memref_slice %arg3[%dma_wait3A_232, %dma_wait3A_233] : memref<100000x128xf32, #tpu.memory_space<hbm>> -> memref<100000x128xf32, #tpu.memory_space<hbm>>
    tpu.wait_indirect_dma semaphore(%arg11 : memref<!tpu.dma_semaphore, #tpu.memory_space<semaphore_mem>>) src(%dma_wait3A_234 : memref<100000x128xf32, #tpu.memory_space<hbm>>) dst(%dma_wait3A_228 : memref<128x128xf32, #tpu.memory_space<vmem>>)
    %add3A_235 = arith.constant 512 : i32
    %add3A_236 = arith.addi %mul3A_2, %add3A_235 : i32
    %dma_start3A_237 = arith.constant 4 : i32
    %dma_start3A_238 = arith.constant 0 : i32
    %dma_start3A_239 = arith.constant 0 : i32
    %dma_start3A_240 = tpu.memref_slice %arg6[%dma_start3A_237, %dma_start3A_238, %dma_start3A_239] : memref<5x128x128xf32, #tpu.memory_space<vmem>> -> memref<1x128x128xf32, #tpu.memory_space<vmem>>
    %dma_start3A_241 = tpu.memref_squeeze %dma_start3A_240 : memref<1x128x128xf32, #tpu.memory_space<vmem>> -> memref<128x128xf32, #tpu.memory_space<vmem>>
    %dma_start3A_242 = arith.constant 0 : i32
    %dma_start3A_243 = tpu.memref_slice %arg4[%add3A_236, %dma_start3A_242] : memref<204800x128xf32, #tpu.memory_space<hbm>> -> memref<128x128xf32, #tpu.memory_space<hbm>>
    %dma_start3A_244 = arith.constant 0 : i32
    %dma_start3A_245 = tpu.memref_slice %arg4[%add3A_236, %dma_start3A_244] : memref<204800x128xf32, #tpu.memory_space<hbm>> -> memref<128x128xf32, #tpu.memory_space<hbm>>
    %dma_start3A_246 = arith.constant 0 : i32
    %dma_start3A_247 = arith.constant 0 : i32
    %dma_start3A_248 = tpu.memref_slice %arg6[%dma_start3A_237, %dma_start3A_246, %dma_start3A_247] : memref<5x128x128xf32, #tpu.memory_space<vmem>> -> memref<1x128x128xf32, #tpu.memory_space<vmem>>
    %dma_start3A_249 = tpu.memref_squeeze %dma_start3A_248 : memref<1x128x128xf32, #tpu.memory_space<vmem>> -> memref<128x128xf32, #tpu.memory_space<vmem>>
    tpu.enqueue_dma source(%dma_start3A_249 : memref<128x128xf32, #tpu.memory_space<vmem>>) target(%dma_start3A_245 : memref<128x128xf32, #tpu.memory_space<hbm>>) target_semaphore(%arg16 : memref<!tpu.dma_semaphore, #tpu.memory_space<semaphore_mem>>)
    %scan3A = arith.constant 0 : i32
    %scan3A_250 = arith.constant 1 : i32
    %scan3A_251 = arith.constant 8 : i32
    %scan3A_252 = arith.addi %scan3A_250, %scan3A_251 : i32
    %scan3A_253 = arith.constant 1 : i32
    scf.for %scan3A_546 = %scan3A_250 to %scan3A_252 step %scan3A_253  : i32 {
      %mul3A_547 = arith.constant 5 : i32
      %mul3A_548 = arith.muli %scan3A_546, %mul3A_547 : i32
      %add3A_549 = arith.constant 0 : i32
      %add3A_550 = arith.addi %mul3A_548, %add3A_549 : i32
      %add3A_551 = arith.constant 2 : i32
      %add3A_552 = arith.addi %add3A_550, %add3A_551 : i32
      %sub3A = arith.constant 5 : i32
      %sub3A_553 = arith.subi %add3A_552, %sub3A : i32
      %mul3A_554 = arith.constant 128 : i32
      %mul3A_555 = arith.muli %sub3A_553, %mul3A_554 : i32
      %add3A_556 = arith.addi %mul3A_2, %mul3A_555 : i32
      %dma_wait3A_557 = arith.constant 2 : i32
      %dma_wait3A_558 = arith.constant 0 : i32
      %dma_wait3A_559 = arith.constant 0 : i32
      %dma_wait3A_560 = tpu.memref_slice %arg6[%dma_wait3A_557, %dma_wait3A_558, %dma_wait3A_559] : memref<5x128x128xf32, #tpu.memory_space<vmem>> -> memref<1x128x128xf32, #tpu.memory_space<vmem>>
      %dma_wait3A_561 = tpu.memref_squeeze %dma_wait3A_560 : memref<1x128x128xf32, #tpu.memory_space<vmem>> -> memref<128x128xf32, #tpu.memory_space<vmem>>
      %dma_wait3A_562 = arith.constant 0 : i32
      %dma_wait3A_563 = tpu.memref_slice %arg4[%add3A_556, %dma_wait3A_562] : memref<204800x128xf32, #tpu.memory_space<hbm>> -> memref<128x128xf32, #tpu.memory_space<hbm>>
      %dma_wait3A_564 = arith.constant 0 : i32
      %dma_wait3A_565 = tpu.memref_slice %arg4[%add3A_556, %dma_wait3A_564] : memref<204800x128xf32, #tpu.memory_space<hbm>> -> memref<128x128xf32, #tpu.memory_space<hbm>>
      %dma_wait3A_566 = arith.constant 0 : i32
      %dma_wait3A_567 = arith.constant 0 : i32
      %dma_wait3A_568 = tpu.memref_slice %arg6[%dma_wait3A_557, %dma_wait3A_566, %dma_wait3A_567] : memref<5x128x128xf32, #tpu.memory_space<vmem>> -> memref<1x128x128xf32, #tpu.memory_space<vmem>>
      %dma_wait3A_569 = tpu.memref_squeeze %dma_wait3A_568 : memref<1x128x128xf32, #tpu.memory_space<vmem>> -> memref<128x128xf32, #tpu.memory_space<vmem>>
      tpu.wait_dma2 semaphore(%arg14 : memref<!tpu.dma_semaphore, #tpu.memory_space<semaphore_mem>>) src(%dma_wait3A_569 : memref<128x128xf32, #tpu.memory_space<vmem>>) dst(%dma_wait3A_565 : memref<128x128xf32, #tpu.memory_space<hbm>>)
      %add3A_570 = arith.constant 2 : i32
      %add3A_571 = arith.addi %add3A_550, %add3A_570 : i32
      %dma_start3A_572 = arith.constant 2 : i32
      %dma_start3A_573 = arith.constant 0 : i32
      %dma_start3A_574 = arith.constant 0 : i32
      %dma_start3A_575 = tpu.memref_slice %arg6[%dma_start3A_572, %dma_start3A_573, %dma_start3A_574] : memref<5x128x128xf32, #tpu.memory_space<vmem>> -> memref<1x128x128xf32, #tpu.memory_space<vmem>>
      %dma_start3A_576 = tpu.memref_squeeze %dma_start3A_575 : memref<1x128x128xf32, #tpu.memory_space<vmem>> -> memref<128x128xf32, #tpu.memory_space<vmem>>
      %dma_start3A_577 = arith.constant 0 : i32
      %dma_start3A_578 = tpu.memref_slice %arg5[%add3A_571, %dma_start3A_577] : memref<50x128xi32, #tpu.memory_space<vmem>> -> memref<1x128xi32, #tpu.memory_space<vmem>>
      %dma_start3A_579 = tpu.memref_squeeze %dma_start3A_578 : memref<1x128xi32, #tpu.memory_space<vmem>> -> memref<128xi32, #tpu.memory_space<vmem>>
      %dma_start3A_580 = arith.constant 0 : i32
      %dma_start3A_581 = arith.constant 0 : i32
      %dma_start3A_582 = tpu.memref_slice %arg3[%dma_start3A_580, %dma_start3A_581] : memref<100000x128xf32, #tpu.memory_space<hbm>> -> memref<100000x128xf32, #tpu.memory_space<hbm>>
      tpu.enqueue_indirect_dma source(%dma_start3A_582 : memref<100000x128xf32, #tpu.memory_space<hbm>>) target(%dma_start3A_576 : memref<128x128xf32, #tpu.memory_space<vmem>>) offsets(%dma_start3A_579 : memref<128xi32, #tpu.memory_space<vmem>>) semaphore(%arg9 : memref<!tpu.dma_semaphore, #tpu.memory_space<semaphore_mem>>)
      %dma_wait3A_583 = arith.constant 0 : i32
      %dma_wait3A_584 = arith.constant 0 : i32
      %dma_wait3A_585 = arith.constant 0 : i32
      %dma_wait3A_586 = tpu.memref_slice %arg6[%dma_wait3A_583, %dma_wait3A_584, %dma_wait3A_585] : memref<5x128x128xf32, #tpu.memory_space<vmem>> -> memref<1x128x128xf32, #tpu.memory_space<vmem>>
      %dma_wait3A_587 = tpu.memref_squeeze %dma_wait3A_586 : memref<1x128x128xf32, #tpu.memory_space<vmem>> -> memref<128x128xf32, #tpu.memory_space<vmem>>
      %dma_wait3A_588 = arith.constant 0 : i32
      %dma_wait3A_589 = tpu.memref_slice %arg5[%add3A_550, %dma_wait3A_588] : memref<50x128xi32, #tpu.memory_space<vmem>> -> memref<1x128xi32, #tpu.memory_space<vmem>>
      %dma_wait3A_590 = tpu.memref_squeeze %dma_wait3A_589 : memref<1x128xi32, #tpu.memory_space<vmem>> -> memref<128xi32, #tpu.memory_space<vmem>>
      %dma_wait3A_591 = arith.constant 0 : i32
      %dma_wait3A_592 = arith.constant 0 : i32
      %dma_wait3A_593 = tpu.memref_slice %arg3[%dma_wait3A_591, %dma_wait3A_592] : memref<100000x128xf32, #tpu.memory_space<hbm>> -> memref<100000x128xf32, #tpu.memory_space<hbm>>
      tpu.wait_indirect_dma semaphore(%arg7 : memref<!tpu.dma_semaphore, #tpu.memory_space<semaphore_mem>>) src(%dma_wait3A_593 : memref<100000x128xf32, #tpu.memory_space<hbm>>) dst(%dma_wait3A_587 : memref<128x128xf32, #tpu.memory_space<vmem>>)
      %mul3A_594 = arith.constant 128 : i32
      %mul3A_595 = arith.muli %add3A_550, %mul3A_594 : i32
      %add3A_596 = arith.addi %mul3A_2, %mul3A_595 : i32
      %dma_start3A_597 = arith.constant 0 : i32
      %dma_start3A_598 = arith.constant 0 : i32
      %dma_start3A_599 = arith.constant 0 : i32
      %dma_start3A_600 = tpu.memref_slice %arg6[%dma_start3A_597, %dma_start3A_598, %dma_start3A_599] : memref<5x128x128xf32, #tpu.memory_space<vmem>> -> memref<1x128x128xf32, #tpu.memory_space<vmem>>
      %dma_start3A_601 = tpu.memref_squeeze %dma_start3A_600 : memref<1x128x128xf32, #tpu.memory_space<vmem>> -> memref<128x128xf32, #tpu.memory_space<vmem>>
      %dma_start3A_602 = arith.constant 0 : i32
      %dma_start3A_603 = tpu.memref_slice %arg4[%add3A_596, %dma_start3A_602] : memref<204800x128xf32, #tpu.memory_space<hbm>> -> memref<128x128xf32, #tpu.memory_space<hbm>>
      %dma_start3A_604 = arith.constant 0 : i32
      %dma_start3A_605 = tpu.memref_slice %arg4[%add3A_596, %dma_start3A_604] : memref<204800x128xf32, #tpu.memory_space<hbm>> -> memref<128x128xf32, #tpu.memory_space<hbm>>
      %dma_start3A_606 = arith.constant 0 : i32
      %dma_start3A_607 = arith.constant 0 : i32
      %dma_start3A_608 = tpu.memref_slice %arg6[%dma_start3A_597, %dma_start3A_606, %dma_start3A_607] : memref<5x128x128xf32, #tpu.memory_space<vmem>> -> memref<1x128x128xf32, #tpu.memory_space<vmem>>
      %dma_start3A_609 = tpu.memref_squeeze %dma_start3A_608 : memref<1x128x128xf32, #tpu.memory_space<vmem>> -> memref<128x128xf32, #tpu.memory_space<vmem>>
      tpu.enqueue_dma source(%dma_start3A_609 : memref<128x128xf32, #tpu.memory_space<vmem>>) target(%dma_start3A_605 : memref<128x128xf32, #tpu.memory_space<hbm>>) target_semaphore(%arg12 : memref<!tpu.dma_semaphore, #tpu.memory_space<semaphore_mem>>)
      %add3A_610 = arith.constant 1 : i32
      %add3A_611 = arith.addi %mul3A_548, %add3A_610 : i32
      %add3A_612 = arith.constant 2 : i32
      %add3A_613 = arith.addi %add3A_611, %add3A_612 : i32
      %sub3A_614 = arith.constant 5 : i32
      %sub3A_615 = arith.subi %add3A_613, %sub3A_614 : i32
      %mul3A_616 = arith.constant 128 : i32
      %mul3A_617 = arith.muli %sub3A_615, %mul3A_616 : i32
      %add3A_618 = arith.addi %mul3A_2, %mul3A_617 : i32
      %dma_wait3A_619 = arith.constant 3 : i32
      %dma_wait3A_620 = arith.constant 0 : i32
      %dma_wait3A_621 = arith.constant 0 : i32
      %dma_wait3A_622 = tpu.memref_slice %arg6[%dma_wait3A_619, %dma_wait3A_620, %dma_wait3A_621] : memref<5x128x128xf32, #tpu.memory_space<vmem>> -> memref<1x128x128xf32, #tpu.memory_space<vmem>>
      %dma_wait3A_623 = tpu.memref_squeeze %dma_wait3A_622 : memref<1x128x128xf32, #tpu.memory_space<vmem>> -> memref<128x128xf32, #tpu.memory_space<vmem>>
      %dma_wait3A_624 = arith.constant 0 : i32
      %dma_wait3A_625 = tpu.memref_slice %arg4[%add3A_618, %dma_wait3A_624] : memref<204800x128xf32, #tpu.memory_space<hbm>> -> memref<128x128xf32, #tpu.memory_space<hbm>>
      %dma_wait3A_626 = arith.constant 0 : i32
      %dma_wait3A_627 = tpu.memref_slice %arg4[%add3A_618, %dma_wait3A_626] : memref<204800x128xf32, #tpu.memory_space<hbm>> -> memref<128x128xf32, #tpu.memory_space<hbm>>
      %dma_wait3A_628 = arith.constant 0 : i32
      %dma_wait3A_629 = arith.constant 0 : i32
      %dma_wait3A_630 = tpu.memref_slice %arg6[%dma_wait3A_619, %dma_wait3A_628, %dma_wait3A_629] : memref<5x128x128xf32, #tpu.memory_space<vmem>> -> memref<1x128x128xf32, #tpu.memory_space<vmem>>
      %dma_wait3A_631 = tpu.memref_squeeze %dma_wait3A_630 : memref<1x128x128xf32, #tpu.memory_space<vmem>> -> memref<128x128xf32, #tpu.memory_space<vmem>>
      tpu.wait_dma2 semaphore(%arg15 : memref<!tpu.dma_semaphore, #tpu.memory_space<semaphore_mem>>) src(%dma_wait3A_631 : memref<128x128xf32, #tpu.memory_space<vmem>>) dst(%dma_wait3A_627 : memref<128x128xf32, #tpu.memory_space<hbm>>)
      %add3A_632 = arith.constant 2 : i32
      %add3A_633 = arith.addi %add3A_611, %add3A_632 : i32
      %dma_start3A_634 = arith.constant 3 : i32
      %dma_start3A_635 = arith.constant 0 : i32
      %dma_start3A_636 = arith.constant 0 : i32
      %dma_start3A_637 = tpu.memref_slice %arg6[%dma_start3A_634, %dma_start3A_635, %dma_start3A_636] : memref<5x128x128xf32, #tpu.memory_space<vmem>> -> memref<1x128x128xf32, #tpu.memory_space<vmem>>
      %dma_start3A_638 = tpu.memref_squeeze %dma_start3A_637 : memref<1x128x128xf32, #tpu.memory_space<vmem>> -> memref<128x128xf32, #tpu.memory_space<vmem>>
      %dma_start3A_639 = arith.constant 0 : i32
      %dma_start3A_640 = tpu.memref_slice %arg5[%add3A_633, %dma_start3A_639] : memref<50x128xi32, #tpu.memory_space<vmem>> -> memref<1x128xi32, #tpu.memory_space<vmem>>
      %dma_start3A_641 = tpu.memref_squeeze %dma_start3A_640 : memref<1x128xi32, #tpu.memory_space<vmem>> -> memref<128xi32, #tpu.memory_space<vmem>>
      %dma_start3A_642 = arith.constant 0 : i32
      %dma_start3A_643 = arith.constant 0 : i32
      %dma_start3A_644 = tpu.memref_slice %arg3[%dma_start3A_642, %dma_start3A_643] : memref<100000x128xf32, #tpu.memory_space<hbm>> -> memref<100000x128xf32, #tpu.memory_space<hbm>>
      tpu.enqueue_indirect_dma source(%dma_start3A_644 : memref<100000x128xf32, #tpu.memory_space<hbm>>) target(%dma_start3A_638 : memref<128x128xf32, #tpu.memory_space<vmem>>) offsets(%dma_start3A_641 : memref<128xi32, #tpu.memory_space<vmem>>) semaphore(%arg10 : memref<!tpu.dma_semaphore, #tpu.memory_space<semaphore_mem>>)
      %dma_wait3A_645 = arith.constant 1 : i32
      %dma_wait3A_646 = arith.constant 0 : i32
      %dma_wait3A_647 = arith.constant 0 : i32
      %dma_wait3A_648 = tpu.memref_slice %arg6[%dma_wait3A_645, %dma_wait3A_646, %dma_wait3A_647] : memref<5x128x128xf32, #tpu.memory_space<vmem>> -> memref<1x128x128xf32, #tpu.memory_space<vmem>>
      %dma_wait3A_649 = tpu.memref_squeeze %dma_wait3A_648 : memref<1x128x128xf32, #tpu.memory_space<vmem>> -> memref<128x128xf32, #tpu.memory_space<vmem>>
      %dma_wait3A_650 = arith.constant 0 : i32
      %dma_wait3A_651 = tpu.memref_slice %arg5[%add3A_611, %dma_wait3A_650] : memref<50x128xi32, #tpu.memory_space<vmem>> -> memref<1x128xi32, #tpu.memory_space<vmem>>
      %dma_wait3A_652 = tpu.memref_squeeze %dma_wait3A_651 : memref<1x128xi32, #tpu.memory_space<vmem>> -> memref<128xi32, #tpu.memory_space<vmem>>
      %dma_wait3A_653 = arith.constant 0 : i32
      %dma_wait3A_654 = arith.constant 0 : i32
      %dma_wait3A_655 = tpu.memref_slice %arg3[%dma_wait3A_653, %dma_wait3A_654] : memref<100000x128xf32, #tpu.memory_space<hbm>> -> memref<100000x128xf32, #tpu.memory_space<hbm>>
      tpu.wait_indirect_dma semaphore(%arg8 : memref<!tpu.dma_semaphore, #tpu.memory_space<semaphore_mem>>) src(%dma_wait3A_655 : memref<100000x128xf32, #tpu.memory_space<hbm>>) dst(%dma_wait3A_649 : memref<128x128xf32, #tpu.memory_space<vmem>>)
      %mul3A_656 = arith.constant 128 : i32
      %mul3A_657 = arith.muli %add3A_611, %mul3A_656 : i32
      %add3A_658 = arith.addi %mul3A_2, %mul3A_657 : i32
      %dma_start3A_659 = arith.constant 1 : i32
      %dma_start3A_660 = arith.constant 0 : i32
      %dma_start3A_661 = arith.constant 0 : i32
      %dma_start3A_662 = tpu.memref_slice %arg6[%dma_start3A_659, %dma_start3A_660, %dma_start3A_661] : memref<5x128x128xf32, #tpu.memory_space<vmem>> -> memref<1x128x128xf32, #tpu.memory_space<vmem>>
      %dma_start3A_663 = tpu.memref_squeeze %dma_start3A_662 : memref<1x128x128xf32, #tpu.memory_space<vmem>> -> memref<128x128xf32, #tpu.memory_space<vmem>>
      %dma_start3A_664 = arith.constant 0 : i32
      %dma_start3A_665 = tpu.memref_slice %arg4[%add3A_658, %dma_start3A_664] : memref<204800x128xf32, #tpu.memory_space<hbm>> -> memref<128x128xf32, #tpu.memory_space<hbm>>
      %dma_start3A_666 = arith.constant 0 : i32
      %dma_start3A_667 = tpu.memref_slice %arg4[%add3A_658, %dma_start3A_666] : memref<204800x128xf32, #tpu.memory_space<hbm>> -> memref<128x128xf32, #tpu.memory_space<hbm>>
      %dma_start3A_668 = arith.constant 0 : i32
      %dma_start3A_669 = arith.constant 0 : i32
      %dma_start3A_670 = tpu.memref_slice %arg6[%dma_start3A_659, %dma_start3A_668, %dma_start3A_669] : memref<5x128x128xf32, #tpu.memory_space<vmem>> -> memref<1x128x128xf32, #tpu.memory_space<vmem>>
      %dma_start3A_671 = tpu.memref_squeeze %dma_start3A_670 : memref<1x128x128xf32, #tpu.memory_space<vmem>> -> memref<128x128xf32, #tpu.memory_space<vmem>>
      tpu.enqueue_dma source(%dma_start3A_671 : memref<128x128xf32, #tpu.memory_space<vmem>>) target(%dma_start3A_667 : memref<128x128xf32, #tpu.memory_space<hbm>>) target_semaphore(%arg13 : memref<!tpu.dma_semaphore, #tpu.memory_space<semaphore_mem>>)
      %add3A_672 = arith.constant 2 : i32
      %add3A_673 = arith.addi %mul3A_548, %add3A_672 : i32
      %add3A_674 = arith.constant 2 : i32
      %add3A_675 = arith.addi %add3A_673, %add3A_674 : i32
      %sub3A_676 = arith.constant 5 : i32
      %sub3A_677 = arith.subi %add3A_675, %sub3A_676 : i32
      %mul3A_678 = arith.constant 128 : i32
      %mul3A_679 = arith.muli %sub3A_677, %mul3A_678 : i32
      %add3A_680 = arith.addi %mul3A_2, %mul3A_679 : i32
      %dma_wait3A_681 = arith.constant 4 : i32
      %dma_wait3A_682 = arith.constant 0 : i32
      %dma_wait3A_683 = arith.constant 0 : i32
      %dma_wait3A_684 = tpu.memref_slice %arg6[%dma_wait3A_681, %dma_wait3A_682, %dma_wait3A_683] : memref<5x128x128xf32, #tpu.memory_space<vmem>> -> memref<1x128x128xf32, #tpu.memory_space<vmem>>
      %dma_wait3A_685 = tpu.memref_squeeze %dma_wait3A_684 : memref<1x128x128xf32, #tpu.memory_space<vmem>> -> memref<128x128xf32, #tpu.memory_space<vmem>>
      %dma_wait3A_686 = arith.constant 0 : i32
      %dma_wait3A_687 = tpu.memref_slice %arg4[%add3A_680, %dma_wait3A_686] : memref<204800x128xf32, #tpu.memory_space<hbm>> -> memref<128x128xf32, #tpu.memory_space<hbm>>
      %dma_wait3A_688 = arith.constant 0 : i32
      %dma_wait3A_689 = tpu.memref_slice %arg4[%add3A_680, %dma_wait3A_688] : memref<204800x128xf32, #tpu.memory_space<hbm>> -> memref<128x128xf32, #tpu.memory_space<hbm>>
      %dma_wait3A_690 = arith.constant 0 : i32
      %dma_wait3A_691 = arith.constant 0 : i32
      %dma_wait3A_692 = tpu.memref_slice %arg6[%dma_wait3A_681, %dma_wait3A_690, %dma_wait3A_691] : memref<5x128x128xf32, #tpu.memory_space<vmem>> -> memref<1x128x128xf32, #tpu.memory_space<vmem>>
      %dma_wait3A_693 = tpu.memref_squeeze %dma_wait3A_692 : memref<1x128x128xf32, #tpu.memory_space<vmem>> -> memref<128x128xf32, #tpu.memory_space<vmem>>
      tpu.wait_dma2 semaphore(%arg16 : memref<!tpu.dma_semaphore, #tpu.memory_space<semaphore_mem>>) src(%dma_wait3A_693 : memref<128x128xf32, #tpu.memory_space<vmem>>) dst(%dma_wait3A_689 : memref<128x128xf32, #tpu.memory_space<hbm>>)
      %add3A_694 = arith.constant 2 : i32
      %add3A_695 = arith.addi %add3A_673, %add3A_694 : i32
      %dma_start3A_696 = arith.constant 4 : i32
      %dma_start3A_697 = arith.constant 0 : i32
      %dma_start3A_698 = arith.constant 0 : i32
      %dma_start3A_699 = tpu.memref_slice %arg6[%dma_start3A_696, %dma_start3A_697, %dma_start3A_698] : memref<5x128x128xf32, #tpu.memory_space<vmem>> -> memref<1x128x128xf32, #tpu.memory_space<vmem>>
      %dma_start3A_700 = tpu.memref_squeeze %dma_start3A_699 : memref<1x128x128xf32, #tpu.memory_space<vmem>> -> memref<128x128xf32, #tpu.memory_space<vmem>>
      %dma_start3A_701 = arith.constant 0 : i32
      %dma_start3A_702 = tpu.memref_slice %arg5[%add3A_695, %dma_start3A_701] : memref<50x128xi32, #tpu.memory_space<vmem>> -> memref<1x128xi32, #tpu.memory_space<vmem>>
      %dma_start3A_703 = tpu.memref_squeeze %dma_start3A_702 : memref<1x128xi32, #tpu.memory_space<vmem>> -> memref<128xi32, #tpu.memory_space<vmem>>
      %dma_start3A_704 = arith.constant 0 : i32
      %dma_start3A_705 = arith.constant 0 : i32
      %dma_start3A_706 = tpu.memref_slice %arg3[%dma_start3A_704, %dma_start3A_705] : memref<100000x128xf32, #tpu.memory_space<hbm>> -> memref<100000x128xf32, #tpu.memory_space<hbm>>
      tpu.enqueue_indirect_dma source(%dma_start3A_706 : memref<100000x128xf32, #tpu.memory_space<hbm>>) target(%dma_start3A_700 : memref<128x128xf32, #tpu.memory_space<vmem>>) offsets(%dma_start3A_703 : memref<128xi32, #tpu.memory_space<vmem>>) semaphore(%arg11 : memref<!tpu.dma_semaphore, #tpu.memory_space<semaphore_mem>>)
      %dma_wait3A_707 = arith.constant 2 : i32
      %dma_wait3A_708 = arith.constant 0 : i32
      %dma_wait3A_709 = arith.constant 0 : i32
      %dma_wait3A_710 = tpu.memref_slice %arg6[%dma_wait3A_707, %dma_wait3A_708, %dma_wait3A_709] : memref<5x128x128xf32, #tpu.memory_space<vmem>> -> memref<1x128x128xf32, #tpu.memory_space<vmem>>
      %dma_wait3A_711 = tpu.memref_squeeze %dma_wait3A_710 : memref<1x128x128xf32, #tpu.memory_space<vmem>> -> memref<128x128xf32, #tpu.memory_space<vmem>>
      %dma_wait3A_712 = arith.constant 0 : i32
      %dma_wait3A_713 = tpu.memref_slice %arg5[%add3A_673, %dma_wait3A_712] : memref<50x128xi32, #tpu.memory_space<vmem>> -> memref<1x128xi32, #tpu.memory_space<vmem>>
      %dma_wait3A_714 = tpu.memref_squeeze %dma_wait3A_713 : memref<1x128xi32, #tpu.memory_space<vmem>> -> memref<128xi32, #tpu.memory_space<vmem>>
      %dma_wait3A_715 = arith.constant 0 : i32
      %dma_wait3A_716 = arith.constant 0 : i32
      %dma_wait3A_717 = tpu.memref_slice %arg3[%dma_wait3A_715, %dma_wait3A_716] : memref<100000x128xf32, #tpu.memory_space<hbm>> -> memref<100000x128xf32, #tpu.memory_space<hbm>>
      tpu.wait_indirect_dma semaphore(%arg9 : memref<!tpu.dma_semaphore, #tpu.memory_space<semaphore_mem>>) src(%dma_wait3A_717 : memref<100000x128xf32, #tpu.memory_space<hbm>>) dst(%dma_wait3A_711 : memref<128x128xf32, #tpu.memory_space<vmem>>)
      %mul3A_718 = arith.constant 128 : i32
      %mul3A_719 = arith.muli %add3A_673, %mul3A_718 : i32
      %add3A_720 = arith.addi %mul3A_2, %mul3A_719 : i32
      %dma_start3A_721 = arith.constant 2 : i32
      %dma_start3A_722 = arith.constant 0 : i32
      %dma_start3A_723 = arith.constant 0 : i32
      %dma_start3A_724 = tpu.memref_slice %arg6[%dma_start3A_721, %dma_start3A_722, %dma_start3A_723] : memref<5x128x128xf32, #tpu.memory_space<vmem>> -> memref<1x128x128xf32, #tpu.memory_space<vmem>>
      %dma_start3A_725 = tpu.memref_squeeze %dma_start3A_724 : memref<1x128x128xf32, #tpu.memory_space<vmem>> -> memref<128x128xf32, #tpu.memory_space<vmem>>
      %dma_start3A_726 = arith.constant 0 : i32
      %dma_start3A_727 = tpu.memref_slice %arg4[%add3A_720, %dma_start3A_726] : memref<204800x128xf32, #tpu.memory_space<hbm>> -> memref<128x128xf32, #tpu.memory_space<hbm>>
      %dma_start3A_728 = arith.constant 0 : i32
      %dma_start3A_729 = tpu.memref_slice %arg4[%add3A_720, %dma_start3A_728] : memref<204800x128xf32, #tpu.memory_space<hbm>> -> memref<128x128xf32, #tpu.memory_space<hbm>>
      %dma_start3A_730 = arith.constant 0 : i32
      %dma_start3A_731 = arith.constant 0 : i32
      %dma_start3A_732 = tpu.memref_slice %arg6[%dma_start3A_721, %dma_start3A_730, %dma_start3A_731] : memref<5x128x128xf32, #tpu.memory_space<vmem>> -> memref<1x128x128xf32, #tpu.memory_space<vmem>>
      %dma_start3A_733 = tpu.memref_squeeze %dma_start3A_732 : memref<1x128x128xf32, #tpu.memory_space<vmem>> -> memref<128x128xf32, #tpu.memory_space<vmem>>
      tpu.enqueue_dma source(%dma_start3A_733 : memref<128x128xf32, #tpu.memory_space<vmem>>) target(%dma_start3A_729 : memref<128x128xf32, #tpu.memory_space<hbm>>) target_semaphore(%arg14 : memref<!tpu.dma_semaphore, #tpu.memory_space<semaphore_mem>>)
      %add3A_734 = arith.constant 3 : i32
      %add3A_735 = arith.addi %mul3A_548, %add3A_734 : i32
      %add3A_736 = arith.constant 2 : i32
      %add3A_737 = arith.addi %add3A_735, %add3A_736 : i32
      %sub3A_738 = arith.constant 5 : i32
      %sub3A_739 = arith.subi %add3A_737, %sub3A_738 : i32
      %mul3A_740 = arith.constant 128 : i32
      %mul3A_741 = arith.muli %sub3A_739, %mul3A_740 : i32
      %add3A_742 = arith.addi %mul3A_2, %mul3A_741 : i32
      %dma_wait3A_743 = arith.constant 0 : i32
      %dma_wait3A_744 = arith.constant 0 : i32
      %dma_wait3A_745 = arith.constant 0 : i32
      %dma_wait3A_746 = tpu.memref_slice %arg6[%dma_wait3A_743, %dma_wait3A_744, %dma_wait3A_745] : memref<5x128x128xf32, #tpu.memory_space<vmem>> -> memref<1x128x128xf32, #tpu.memory_space<vmem>>
      %dma_wait3A_747 = tpu.memref_squeeze %dma_wait3A_746 : memref<1x128x128xf32, #tpu.memory_space<vmem>> -> memref<128x128xf32, #tpu.memory_space<vmem>>
      %dma_wait3A_748 = arith.constant 0 : i32
      %dma_wait3A_749 = tpu.memref_slice %arg4[%add3A_742, %dma_wait3A_748] : memref<204800x128xf32, #tpu.memory_space<hbm>> -> memref<128x128xf32, #tpu.memory_space<hbm>>
      %dma_wait3A_750 = arith.constant 0 : i32
      %dma_wait3A_751 = tpu.memref_slice %arg4[%add3A_742, %dma_wait3A_750] : memref<204800x128xf32, #tpu.memory_space<hbm>> -> memref<128x128xf32, #tpu.memory_space<hbm>>
      %dma_wait3A_752 = arith.constant 0 : i32
      %dma_wait3A_753 = arith.constant 0 : i32
      %dma_wait3A_754 = tpu.memref_slice %arg6[%dma_wait3A_743, %dma_wait3A_752, %dma_wait3A_753] : memref<5x128x128xf32, #tpu.memory_space<vmem>> -> memref<1x128x128xf32, #tpu.memory_space<vmem>>
      %dma_wait3A_755 = tpu.memref_squeeze %dma_wait3A_754 : memref<1x128x128xf32, #tpu.memory_space<vmem>> -> memref<128x128xf32, #tpu.memory_space<vmem>>
      tpu.wait_dma2 semaphore(%arg12 : memref<!tpu.dma_semaphore, #tpu.memory_space<semaphore_mem>>) src(%dma_wait3A_755 : memref<128x128xf32, #tpu.memory_space<vmem>>) dst(%dma_wait3A_751 : memref<128x128xf32, #tpu.memory_space<hbm>>)
      %add3A_756 = arith.constant 2 : i32
      %add3A_757 = arith.addi %add3A_735, %add3A_756 : i32
      %dma_start3A_758 = arith.constant 0 : i32
      %dma_start3A_759 = arith.constant 0 : i32
      %dma_start3A_760 = arith.constant 0 : i32
      %dma_start3A_761 = tpu.memref_slice %arg6[%dma_start3A_758, %dma_start3A_759, %dma_start3A_760] : memref<5x128x128xf32, #tpu.memory_space<vmem>> -> memref<1x128x128xf32, #tpu.memory_space<vmem>>
      %dma_start3A_762 = tpu.memref_squeeze %dma_start3A_761 : memref<1x128x128xf32, #tpu.memory_space<vmem>> -> memref<128x128xf32, #tpu.memory_space<vmem>>
      %dma_start3A_763 = arith.constant 0 : i32
      %dma_start3A_764 = tpu.memref_slice %arg5[%add3A_757, %dma_start3A_763] : memref<50x128xi32, #tpu.memory_space<vmem>> -> memref<1x128xi32, #tpu.memory_space<vmem>>
      %dma_start3A_765 = tpu.memref_squeeze %dma_start3A_764 : memref<1x128xi32, #tpu.memory_space<vmem>> -> memref<128xi32, #tpu.memory_space<vmem>>
      %dma_start3A_766 = arith.constant 0 : i32
      %dma_start3A_767 = arith.constant 0 : i32
      %dma_start3A_768 = tpu.memref_slice %arg3[%dma_start3A_766, %dma_start3A_767] : memref<100000x128xf32, #tpu.memory_space<hbm>> -> memref<100000x128xf32, #tpu.memory_space<hbm>>
      tpu.enqueue_indirect_dma source(%dma_start3A_768 : memref<100000x128xf32, #tpu.memory_space<hbm>>) target(%dma_start3A_762 : memref<128x128xf32, #tpu.memory_space<vmem>>) offsets(%dma_start3A_765 : memref<128xi32, #tpu.memory_space<vmem>>) semaphore(%arg7 : memref<!tpu.dma_semaphore, #tpu.memory_space<semaphore_mem>>)
      %dma_wait3A_769 = arith.constant 3 : i32
      %dma_wait3A_770 = arith.constant 0 : i32
      %dma_wait3A_771 = arith.constant 0 : i32
      %dma_wait3A_772 = tpu.memref_slice %arg6[%dma_wait3A_769, %dma_wait3A_770, %dma_wait3A_771] : memref<5x128x128xf32, #tpu.memory_space<vmem>> -> memref<1x128x128xf32, #tpu.memory_space<vmem>>
      %dma_wait3A_773 = tpu.memref_squeeze %dma_wait3A_772 : memref<1x128x128xf32, #tpu.memory_space<vmem>> -> memref<128x128xf32, #tpu.memory_space<vmem>>
      %dma_wait3A_774 = arith.constant 0 : i32
      %dma_wait3A_775 = tpu.memref_slice %arg5[%add3A_735, %dma_wait3A_774] : memref<50x128xi32, #tpu.memory_space<vmem>> -> memref<1x128xi32, #tpu.memory_space<vmem>>
      %dma_wait3A_776 = tpu.memref_squeeze %dma_wait3A_775 : memref<1x128xi32, #tpu.memory_space<vmem>> -> memref<128xi32, #tpu.memory_space<vmem>>
      %dma_wait3A_777 = arith.constant 0 : i32
      %dma_wait3A_778 = arith.constant 0 : i32
      %dma_wait3A_779 = tpu.memref_slice %arg3[%dma_wait3A_777, %dma_wait3A_778] : memref<100000x128xf32, #tpu.memory_space<hbm>> -> memref<100000x128xf32, #tpu.memory_space<hbm>>
      tpu.wait_indirect_dma semaphore(%arg10 : memref<!tpu.dma_semaphore, #tpu.memory_space<semaphore_mem>>) src(%dma_wait3A_779 : memref<100000x128xf32, #tpu.memory_space<hbm>>) dst(%dma_wait3A_773 : memref<128x128xf32, #tpu.memory_space<vmem>>)
      %mul3A_780 = arith.constant 128 : i32
      %mul3A_781 = arith.muli %add3A_735, %mul3A_780 : i32
      %add3A_782 = arith.addi %mul3A_2, %mul3A_781 : i32
      %dma_start3A_783 = arith.constant 3 : i32
      %dma_start3A_784 = arith.constant 0 : i32
      %dma_start3A_785 = arith.constant 0 : i32
      %dma_start3A_786 = tpu.memref_slice %arg6[%dma_start3A_783, %dma_start3A_784, %dma_start3A_785] : memref<5x128x128xf32, #tpu.memory_space<vmem>> -> memref<1x128x128xf32, #tpu.memory_space<vmem>>
      %dma_start3A_787 = tpu.memref_squeeze %dma_start3A_786 : memref<1x128x128xf32, #tpu.memory_space<vmem>> -> memref<128x128xf32, #tpu.memory_space<vmem>>
      %dma_start3A_788 = arith.constant 0 : i32
      %dma_start3A_789 = tpu.memref_slice %arg4[%add3A_782, %dma_start3A_788] : memref<204800x128xf32, #tpu.memory_space<hbm>> -> memref<128x128xf32, #tpu.memory_space<hbm>>
      %dma_start3A_790 = arith.constant 0 : i32
      %dma_start3A_791 = tpu.memref_slice %arg4[%add3A_782, %dma_start3A_790] : memref<204800x128xf32, #tpu.memory_space<hbm>> -> memref<128x128xf32, #tpu.memory_space<hbm>>
      %dma_start3A_792 = arith.constant 0 : i32
      %dma_start3A_793 = arith.constant 0 : i32
      %dma_start3A_794 = tpu.memref_slice %arg6[%dma_start3A_783, %dma_start3A_792, %dma_start3A_793] : memref<5x128x128xf32, #tpu.memory_space<vmem>> -> memref<1x128x128xf32, #tpu.memory_space<vmem>>
      %dma_start3A_795 = tpu.memref_squeeze %dma_start3A_794 : memref<1x128x128xf32, #tpu.memory_space<vmem>> -> memref<128x128xf32, #tpu.memory_space<vmem>>
      tpu.enqueue_dma source(%dma_start3A_795 : memref<128x128xf32, #tpu.memory_space<vmem>>) target(%dma_start3A_791 : memref<128x128xf32, #tpu.memory_space<hbm>>) target_semaphore(%arg15 : memref<!tpu.dma_semaphore, #tpu.memory_space<semaphore_mem>>)
      %add3A_796 = arith.constant 4 : i32
      %add3A_797 = arith.addi %mul3A_548, %add3A_796 : i32
      %add3A_798 = arith.constant 2 : i32
      %add3A_799 = arith.addi %add3A_797, %add3A_798 : i32
      %sub3A_800 = arith.constant 5 : i32
      %sub3A_801 = arith.subi %add3A_799, %sub3A_800 : i32
      %mul3A_802 = arith.constant 128 : i32
      %mul3A_803 = arith.muli %sub3A_801, %mul3A_802 : i32
      %add3A_804 = arith.addi %mul3A_2, %mul3A_803 : i32
      %dma_wait3A_805 = arith.constant 1 : i32
      %dma_wait3A_806 = arith.constant 0 : i32
      %dma_wait3A_807 = arith.constant 0 : i32
      %dma_wait3A_808 = tpu.memref_slice %arg6[%dma_wait3A_805, %dma_wait3A_806, %dma_wait3A_807] : memref<5x128x128xf32, #tpu.memory_space<vmem>> -> memref<1x128x128xf32, #tpu.memory_space<vmem>>
      %dma_wait3A_809 = tpu.memref_squeeze %dma_wait3A_808 : memref<1x128x128xf32, #tpu.memory_space<vmem>> -> memref<128x128xf32, #tpu.memory_space<vmem>>
      %dma_wait3A_810 = arith.constant 0 : i32
      %dma_wait3A_811 = tpu.memref_slice %arg4[%add3A_804, %dma_wait3A_810] : memref<204800x128xf32, #tpu.memory_space<hbm>> -> memref<128x128xf32, #tpu.memory_space<hbm>>
      %dma_wait3A_812 = arith.constant 0 : i32
      %dma_wait3A_813 = tpu.memref_slice %arg4[%add3A_804, %dma_wait3A_812] : memref<204800x128xf32, #tpu.memory_space<hbm>> -> memref<128x128xf32, #tpu.memory_space<hbm>>
      %dma_wait3A_814 = arith.constant 0 : i32
      %dma_wait3A_815 = arith.constant 0 : i32
      %dma_wait3A_816 = tpu.memref_slice %arg6[%dma_wait3A_805, %dma_wait3A_814, %dma_wait3A_815] : memref<5x128x128xf32, #tpu.memory_space<vmem>> -> memref<1x128x128xf32, #tpu.memory_space<vmem>>
      %dma_wait3A_817 = tpu.memref_squeeze %dma_wait3A_816 : memref<1x128x128xf32, #tpu.memory_space<vmem>> -> memref<128x128xf32, #tpu.memory_space<vmem>>
      tpu.wait_dma2 semaphore(%arg13 : memref<!tpu.dma_semaphore, #tpu.memory_space<semaphore_mem>>) src(%dma_wait3A_817 : memref<128x128xf32, #tpu.memory_space<vmem>>) dst(%dma_wait3A_813 : memref<128x128xf32, #tpu.memory_space<hbm>>)
      %add3A_818 = arith.constant 2 : i32
      %add3A_819 = arith.addi %add3A_797, %add3A_818 : i32
      %dma_start3A_820 = arith.constant 1 : i32
      %dma_start3A_821 = arith.constant 0 : i32
      %dma_start3A_822 = arith.constant 0 : i32
      %dma_start3A_823 = tpu.memref_slice %arg6[%dma_start3A_820, %dma_start3A_821, %dma_start3A_822] : memref<5x128x128xf32, #tpu.memory_space<vmem>> -> memref<1x128x128xf32, #tpu.memory_space<vmem>>
      %dma_start3A_824 = tpu.memref_squeeze %dma_start3A_823 : memref<1x128x128xf32, #tpu.memory_space<vmem>> -> memref<128x128xf32, #tpu.memory_space<vmem>>
      %dma_start3A_825 = arith.constant 0 : i32
      %dma_start3A_826 = tpu.memref_slice %arg5[%add3A_819, %dma_start3A_825] : memref<50x128xi32, #tpu.memory_space<vmem>> -> memref<1x128xi32, #tpu.memory_space<vmem>>
      %dma_start3A_827 = tpu.memref_squeeze %dma_start3A_826 : memref<1x128xi32, #tpu.memory_space<vmem>> -> memref<128xi32, #tpu.memory_space<vmem>>
      %dma_start3A_828 = arith.constant 0 : i32
      %dma_start3A_829 = arith.constant 0 : i32
      %dma_start3A_830 = tpu.memref_slice %arg3[%dma_start3A_828, %dma_start3A_829] : memref<100000x128xf32, #tpu.memory_space<hbm>> -> memref<100000x128xf32, #tpu.memory_space<hbm>>
      tpu.enqueue_indirect_dma source(%dma_start3A_830 : memref<100000x128xf32, #tpu.memory_space<hbm>>) target(%dma_start3A_824 : memref<128x128xf32, #tpu.memory_space<vmem>>) offsets(%dma_start3A_827 : memref<128xi32, #tpu.memory_space<vmem>>) semaphore(%arg8 : memref<!tpu.dma_semaphore, #tpu.memory_space<semaphore_mem>>)
      %dma_wait3A_831 = arith.constant 4 : i32
      %dma_wait3A_832 = arith.constant 0 : i32
      %dma_wait3A_833 = arith.constant 0 : i32
      %dma_wait3A_834 = tpu.memref_slice %arg6[%dma_wait3A_831, %dma_wait3A_832, %dma_wait3A_833] : memref<5x128x128xf32, #tpu.memory_space<vmem>> -> memref<1x128x128xf32, #tpu.memory_space<vmem>>
      %dma_wait3A_835 = tpu.memref_squeeze %dma_wait3A_834 : memref<1x128x128xf32, #tpu.memory_space<vmem>> -> memref<128x128xf32, #tpu.memory_space<vmem>>
      %dma_wait3A_836 = arith.constant 0 : i32
      %dma_wait3A_837 = tpu.memref_slice %arg5[%add3A_797, %dma_wait3A_836] : memref<50x128xi32, #tpu.memory_space<vmem>> -> memref<1x128xi32, #tpu.memory_space<vmem>>
      %dma_wait3A_838 = tpu.memref_squeeze %dma_wait3A_837 : memref<1x128xi32, #tpu.memory_space<vmem>> -> memref<128xi32, #tpu.memory_space<vmem>>
      %dma_wait3A_839 = arith.constant 0 : i32
      %dma_wait3A_840 = arith.constant 0 : i32
      %dma_wait3A_841 = tpu.memref_slice %arg3[%dma_wait3A_839, %dma_wait3A_840] : memref<100000x128xf32, #tpu.memory_space<hbm>> -> memref<100000x128xf32, #tpu.memory_space<hbm>>
      tpu.wait_indirect_dma semaphore(%arg11 : memref<!tpu.dma_semaphore, #tpu.memory_space<semaphore_mem>>) src(%dma_wait3A_841 : memref<100000x128xf32, #tpu.memory_space<hbm>>) dst(%dma_wait3A_835 : memref<128x128xf32, #tpu.memory_space<vmem>>)
      %mul3A_842 = arith.constant 128 : i32
      %mul3A_843 = arith.muli %add3A_797, %mul3A_842 : i32
      %add3A_844 = arith.addi %mul3A_2, %mul3A_843 : i32
      %dma_start3A_845 = arith.constant 4 : i32
      %dma_start3A_846 = arith.constant 0 : i32
      %dma_start3A_847 = arith.constant 0 : i32
      %dma_start3A_848 = tpu.memref_slice %arg6[%dma_start3A_845, %dma_start3A_846, %dma_start3A_847] : memref<5x128x128xf32, #tpu.memory_space<vmem>> -> memref<1x128x128xf32, #tpu.memory_space<vmem>>
      %dma_start3A_849 = tpu.memref_squeeze %dma_start3A_848 : memref<1x128x128xf32, #tpu.memory_space<vmem>> -> memref<128x128xf32, #tpu.memory_space<vmem>>
      %dma_start3A_850 = arith.constant 0 : i32
      %dma_start3A_851 = tpu.memref_slice %arg4[%add3A_844, %dma_start3A_850] : memref<204800x128xf32, #tpu.memory_space<hbm>> -> memref<128x128xf32, #tpu.memory_space<hbm>>
      %dma_start3A_852 = arith.constant 0 : i32
      %dma_start3A_853 = tpu.memref_slice %arg4[%add3A_844, %dma_start3A_852] : memref<204800x128xf32, #tpu.memory_space<hbm>> -> memref<128x128xf32, #tpu.memory_space<hbm>>
      %dma_start3A_854 = arith.constant 0 : i32
      %dma_start3A_855 = arith.constant 0 : i32
      %dma_start3A_856 = tpu.memref_slice %arg6[%dma_start3A_845, %dma_start3A_854, %dma_start3A_855] : memref<5x128x128xf32, #tpu.memory_space<vmem>> -> memref<1x128x128xf32, #tpu.memory_space<vmem>>
      %dma_start3A_857 = tpu.memref_squeeze %dma_start3A_856 : memref<1x128x128xf32, #tpu.memory_space<vmem>> -> memref<128x128xf32, #tpu.memory_space<vmem>>
      tpu.enqueue_dma source(%dma_start3A_857 : memref<128x128xf32, #tpu.memory_space<vmem>>) target(%dma_start3A_853 : memref<128x128xf32, #tpu.memory_space<hbm>>) target_semaphore(%arg16 : memref<!tpu.dma_semaphore, #tpu.memory_space<semaphore_mem>>)
    }
    %scan3A_254 = arith.constant 8 : i32
    %add3A_255 = arith.constant 5376 : i32
    %add3A_256 = arith.addi %mul3A_2, %add3A_255 : i32
    %dma_wait3A_257 = arith.constant 2 : i32
    %dma_wait3A_258 = arith.constant 0 : i32
    %dma_wait3A_259 = arith.constant 0 : i32
    %dma_wait3A_260 = tpu.memref_slice %arg6[%dma_wait3A_257, %dma_wait3A_258, %dma_wait3A_259] : memref<5x128x128xf32, #tpu.memory_space<vmem>> -> memref<1x128x128xf32, #tpu.memory_space<vmem>>
    %dma_wait3A_261 = tpu.memref_squeeze %dma_wait3A_260 : memref<1x128x128xf32, #tpu.memory_space<vmem>> -> memref<128x128xf32, #tpu.memory_space<vmem>>
    %dma_wait3A_262 = arith.constant 0 : i32
    %dma_wait3A_263 = tpu.memref_slice %arg4[%add3A_256, %dma_wait3A_262] : memref<204800x128xf32, #tpu.memory_space<hbm>> -> memref<128x128xf32, #tpu.memory_space<hbm>>
    %dma_wait3A_264 = arith.constant 0 : i32
    %dma_wait3A_265 = tpu.memref_slice %arg4[%add3A_256, %dma_wait3A_264] : memref<204800x128xf32, #tpu.memory_space<hbm>> -> memref<128x128xf32, #tpu.memory_space<hbm>>
    %dma_wait3A_266 = arith.constant 0 : i32
    %dma_wait3A_267 = arith.constant 0 : i32
    %dma_wait3A_268 = tpu.memref_slice %arg6[%dma_wait3A_257, %dma_wait3A_266, %dma_wait3A_267] : memref<5x128x128xf32, #tpu.memory_space<vmem>> -> memref<1x128x128xf32, #tpu.memory_space<vmem>>
    %dma_wait3A_269 = tpu.memref_squeeze %dma_wait3A_268 : memref<1x128x128xf32, #tpu.memory_space<vmem>> -> memref<128x128xf32, #tpu.memory_space<vmem>>
    tpu.wait_dma2 semaphore(%arg14 : memref<!tpu.dma_semaphore, #tpu.memory_space<semaphore_mem>>) src(%dma_wait3A_269 : memref<128x128xf32, #tpu.memory_space<vmem>>) dst(%dma_wait3A_265 : memref<128x128xf32, #tpu.memory_space<hbm>>)
    %dma_start3A_270 = arith.constant 47 : i32
    %dma_start3A_271 = arith.constant 2 : i32
    %dma_start3A_272 = arith.constant 0 : i32
    %dma_start3A_273 = arith.constant 0 : i32
    %dma_start3A_274 = tpu.memref_slice %arg6[%dma_start3A_271, %dma_start3A_272, %dma_start3A_273] : memref<5x128x128xf32, #tpu.memory_space<vmem>> -> memref<1x128x128xf32, #tpu.memory_space<vmem>>
    %dma_start3A_275 = tpu.memref_squeeze %dma_start3A_274 : memref<1x128x128xf32, #tpu.memory_space<vmem>> -> memref<128x128xf32, #tpu.memory_space<vmem>>
    %dma_start3A_276 = arith.constant 0 : i32
    %dma_start3A_277 = tpu.memref_slice %arg5[%dma_start3A_270, %dma_start3A_276] : memref<50x128xi32, #tpu.memory_space<vmem>> -> memref<1x128xi32, #tpu.memory_space<vmem>>
    %dma_start3A_278 = tpu.memref_squeeze %dma_start3A_277 : memref<1x128xi32, #tpu.memory_space<vmem>> -> memref<128xi32, #tpu.memory_space<vmem>>
    %dma_start3A_279 = arith.constant 0 : i32
    %dma_start3A_280 = arith.constant 0 : i32
    %dma_start3A_281 = tpu.memref_slice %arg3[%dma_start3A_279, %dma_start3A_280] : memref<100000x128xf32, #tpu.memory_space<hbm>> -> memref<100000x128xf32, #tpu.memory_space<hbm>>
    tpu.enqueue_indirect_dma source(%dma_start3A_281 : memref<100000x128xf32, #tpu.memory_space<hbm>>) target(%dma_start3A_275 : memref<128x128xf32, #tpu.memory_space<vmem>>) offsets(%dma_start3A_278 : memref<128xi32, #tpu.memory_space<vmem>>) semaphore(%arg9 : memref<!tpu.dma_semaphore, #tpu.memory_space<semaphore_mem>>)
    %dma_wait3A_282 = arith.constant 45 : i32
    %dma_wait3A_283 = arith.constant 0 : i32
    %dma_wait3A_284 = arith.constant 0 : i32
    %dma_wait3A_285 = arith.constant 0 : i32
    %dma_wait3A_286 = tpu.memref_slice %arg6[%dma_wait3A_283, %dma_wait3A_284, %dma_wait3A_285] : memref<5x128x128xf32, #tpu.memory_space<vmem>> -> memref<1x128x128xf32, #tpu.memory_space<vmem>>
    %dma_wait3A_287 = tpu.memref_squeeze %dma_wait3A_286 : memref<1x128x128xf32, #tpu.memory_space<vmem>> -> memref<128x128xf32, #tpu.memory_space<vmem>>
    %dma_wait3A_288 = arith.constant 0 : i32
    %dma_wait3A_289 = tpu.memref_slice %arg5[%dma_wait3A_282, %dma_wait3A_288] : memref<50x128xi32, #tpu.memory_space<vmem>> -> memref<1x128xi32, #tpu.memory_space<vmem>>
    %dma_wait3A_290 = tpu.memref_squeeze %dma_wait3A_289 : memref<1x128xi32, #tpu.memory_space<vmem>> -> memref<128xi32, #tpu.memory_space<vmem>>
    %dma_wait3A_291 = arith.constant 0 : i32
    %dma_wait3A_292 = arith.constant 0 : i32
    %dma_wait3A_293 = tpu.memref_slice %arg3[%dma_wait3A_291, %dma_wait3A_292] : memref<100000x128xf32, #tpu.memory_space<hbm>> -> memref<100000x128xf32, #tpu.memory_space<hbm>>
    tpu.wait_indirect_dma semaphore(%arg7 : memref<!tpu.dma_semaphore, #tpu.memory_space<semaphore_mem>>) src(%dma_wait3A_293 : memref<100000x128xf32, #tpu.memory_space<hbm>>) dst(%dma_wait3A_287 : memref<128x128xf32, #tpu.memory_space<vmem>>)
    %add3A_294 = arith.constant 5760 : i32
    %add3A_295 = arith.addi %mul3A_2, %add3A_294 : i32
    %dma_start3A_296 = arith.constant 0 : i32
    %dma_start3A_297 = arith.constant 0 : i32
    %dma_start3A_298 = arith.constant 0 : i32
    %dma_start3A_299 = tpu.memref_slice %arg6[%dma_start3A_296, %dma_start3A_297, %dma_start3A_298] : memref<5x128x128xf32, #tpu.memory_space<vmem>> -> memref<1x128x128xf32, #tpu.memory_space<vmem>>
    %dma_start3A_300 = tpu.memref_squeeze %dma_start3A_299 : memref<1x128x128xf32, #tpu.memory_space<vmem>> -> memref<128x128xf32, #tpu.memory_space<vmem>>
    %dma_start3A_301 = arith.constant 0 : i32
    %dma_start3A_302 = tpu.memref_slice %arg4[%add3A_295, %dma_start3A_301] : memref<204800x128xf32, #tpu.memory_space<hbm>> -> memref<128x128xf32, #tpu.memory_space<hbm>>
    %dma_start3A_303 = arith.constant 0 : i32
    %dma_start3A_304 = tpu.memref_slice %arg4[%add3A_295, %dma_start3A_303] : memref<204800x128xf32, #tpu.memory_space<hbm>> -> memref<128x128xf32, #tpu.memory_space<hbm>>
    %dma_start3A_305 = arith.constant 0 : i32
    %dma_start3A_306 = arith.constant 0 : i32
    %dma_start3A_307 = tpu.memref_slice %arg6[%dma_start3A_296, %dma_start3A_305, %dma_start3A_306] : memref<5x128x128xf32, #tpu.memory_space<vmem>> -> memref<1x128x128xf32, #tpu.memory_space<vmem>>
    %dma_start3A_308 = tpu.memref_squeeze %dma_start3A_307 : memref<1x128x128xf32, #tpu.memory_space<vmem>> -> memref<128x128xf32, #tpu.memory_space<vmem>>
    tpu.enqueue_dma source(%dma_start3A_308 : memref<128x128xf32, #tpu.memory_space<vmem>>) target(%dma_start3A_304 : memref<128x128xf32, #tpu.memory_space<hbm>>) target_semaphore(%arg12 : memref<!tpu.dma_semaphore, #tpu.memory_space<semaphore_mem>>)
    %add3A_309 = arith.constant 5504 : i32
    %add3A_310 = arith.addi %mul3A_2, %add3A_309 : i32
    %dma_wait3A_311 = arith.constant 3 : i32
    %dma_wait3A_312 = arith.constant 0 : i32
    %dma_wait3A_313 = arith.constant 0 : i32
    %dma_wait3A_314 = tpu.memref_slice %arg6[%dma_wait3A_311, %dma_wait3A_312, %dma_wait3A_313] : memref<5x128x128xf32, #tpu.memory_space<vmem>> -> memref<1x128x128xf32, #tpu.memory_space<vmem>>
    %dma_wait3A_315 = tpu.memref_squeeze %dma_wait3A_314 : memref<1x128x128xf32, #tpu.memory_space<vmem>> -> memref<128x128xf32, #tpu.memory_space<vmem>>
    %dma_wait3A_316 = arith.constant 0 : i32
    %dma_wait3A_317 = tpu.memref_slice %arg4[%add3A_310, %dma_wait3A_316] : memref<204800x128xf32, #tpu.memory_space<hbm>> -> memref<128x128xf32, #tpu.memory_space<hbm>>
    %dma_wait3A_318 = arith.constant 0 : i32
    %dma_wait3A_319 = tpu.memref_slice %arg4[%add3A_310, %dma_wait3A_318] : memref<204800x128xf32, #tpu.memory_space<hbm>> -> memref<128x128xf32, #tpu.memory_space<hbm>>
    %dma_wait3A_320 = arith.constant 0 : i32
    %dma_wait3A_321 = arith.constant 0 : i32
    %dma_wait3A_322 = tpu.memref_slice %arg6[%dma_wait3A_311, %dma_wait3A_320, %dma_wait3A_321] : memref<5x128x128xf32, #tpu.memory_space<vmem>> -> memref<1x128x128xf32, #tpu.memory_space<vmem>>
    %dma_wait3A_323 = tpu.memref_squeeze %dma_wait3A_322 : memref<1x128x128xf32, #tpu.memory_space<vmem>> -> memref<128x128xf32, #tpu.memory_space<vmem>>
    tpu.wait_dma2 semaphore(%arg15 : memref<!tpu.dma_semaphore, #tpu.memory_space<semaphore_mem>>) src(%dma_wait3A_323 : memref<128x128xf32, #tpu.memory_space<vmem>>) dst(%dma_wait3A_319 : memref<128x128xf32, #tpu.memory_space<hbm>>)
    %dma_start3A_324 = arith.constant 48 : i32
    %dma_start3A_325 = arith.constant 3 : i32
    %dma_start3A_326 = arith.constant 0 : i32
    %dma_start3A_327 = arith.constant 0 : i32
    %dma_start3A_328 = tpu.memref_slice %arg6[%dma_start3A_325, %dma_start3A_326, %dma_start3A_327] : memref<5x128x128xf32, #tpu.memory_space<vmem>> -> memref<1x128x128xf32, #tpu.memory_space<vmem>>
    %dma_start3A_329 = tpu.memref_squeeze %dma_start3A_328 : memref<1x128x128xf32, #tpu.memory_space<vmem>> -> memref<128x128xf32, #tpu.memory_space<vmem>>
    %dma_start3A_330 = arith.constant 0 : i32
    %dma_start3A_331 = tpu.memref_slice %arg5[%dma_start3A_324, %dma_start3A_330] : memref<50x128xi32, #tpu.memory_space<vmem>> -> memref<1x128xi32, #tpu.memory_space<vmem>>
    %dma_start3A_332 = tpu.memref_squeeze %dma_start3A_331 : memref<1x128xi32, #tpu.memory_space<vmem>> -> memref<128xi32, #tpu.memory_space<vmem>>
    %dma_start3A_333 = arith.constant 0 : i32
    %dma_start3A_334 = arith.constant 0 : i32
    %dma_start3A_335 = tpu.memref_slice %arg3[%dma_start3A_333, %dma_start3A_334] : memref<100000x128xf32, #tpu.memory_space<hbm>> -> memref<100000x128xf32, #tpu.memory_space<hbm>>
    tpu.enqueue_indirect_dma source(%dma_start3A_335 : memref<100000x128xf32, #tpu.memory_space<hbm>>) target(%dma_start3A_329 : memref<128x128xf32, #tpu.memory_space<vmem>>) offsets(%dma_start3A_332 : memref<128xi32, #tpu.memory_space<vmem>>) semaphore(%arg10 : memref<!tpu.dma_semaphore, #tpu.memory_space<semaphore_mem>>)
    %dma_wait3A_336 = arith.constant 46 : i32
    %dma_wait3A_337 = arith.constant 1 : i32
    %dma_wait3A_338 = arith.constant 0 : i32
    %dma_wait3A_339 = arith.constant 0 : i32
    %dma_wait3A_340 = tpu.memref_slice %arg6[%dma_wait3A_337, %dma_wait3A_338, %dma_wait3A_339] : memref<5x128x128xf32, #tpu.memory_space<vmem>> -> memref<1x128x128xf32, #tpu.memory_space<vmem>>
    %dma_wait3A_341 = tpu.memref_squeeze %dma_wait3A_340 : memref<1x128x128xf32, #tpu.memory_space<vmem>> -> memref<128x128xf32, #tpu.memory_space<vmem>>
    %dma_wait3A_342 = arith.constant 0 : i32
    %dma_wait3A_343 = tpu.memref_slice %arg5[%dma_wait3A_336, %dma_wait3A_342] : memref<50x128xi32, #tpu.memory_space<vmem>> -> memref<1x128xi32, #tpu.memory_space<vmem>>
    %dma_wait3A_344 = tpu.memref_squeeze %dma_wait3A_343 : memref<1x128xi32, #tpu.memory_space<vmem>> -> memref<128xi32, #tpu.memory_space<vmem>>
    %dma_wait3A_345 = arith.constant 0 : i32
    %dma_wait3A_346 = arith.constant 0 : i32
    %dma_wait3A_347 = tpu.memref_slice %arg3[%dma_wait3A_345, %dma_wait3A_346] : memref<100000x128xf32, #tpu.memory_space<hbm>> -> memref<100000x128xf32, #tpu.memory_space<hbm>>
    tpu.wait_indirect_dma semaphore(%arg8 : memref<!tpu.dma_semaphore, #tpu.memory_space<semaphore_mem>>) src(%dma_wait3A_347 : memref<100000x128xf32, #tpu.memory_space<hbm>>) dst(%dma_wait3A_341 : memref<128x128xf32, #tpu.memory_space<vmem>>)
    %add3A_348 = arith.constant 5888 : i32
    %add3A_349 = arith.addi %mul3A_2, %add3A_348 : i32
    %dma_start3A_350 = arith.constant 1 : i32
    %dma_start3A_351 = arith.constant 0 : i32
    %dma_start3A_352 = arith.constant 0 : i32
    %dma_start3A_353 = tpu.memref_slice %arg6[%dma_start3A_350, %dma_start3A_351, %dma_start3A_352] : memref<5x128x128xf32, #tpu.memory_space<vmem>> -> memref<1x128x128xf32, #tpu.memory_space<vmem>>
    %dma_start3A_354 = tpu.memref_squeeze %dma_start3A_353 : memref<1x128x128xf32, #tpu.memory_space<vmem>> -> memref<128x128xf32, #tpu.memory_space<vmem>>
    %dma_start3A_355 = arith.constant 0 : i32
    %dma_start3A_356 = tpu.memref_slice %arg4[%add3A_349, %dma_start3A_355] : memref<204800x128xf32, #tpu.memory_space<hbm>> -> memref<128x128xf32, #tpu.memory_space<hbm>>
    %dma_start3A_357 = arith.constant 0 : i32
    %dma_start3A_358 = tpu.memref_slice %arg4[%add3A_349, %dma_start3A_357] : memref<204800x128xf32, #tpu.memory_space<hbm>> -> memref<128x128xf32, #tpu.memory_space<hbm>>
    %dma_start3A_359 = arith.constant 0 : i32
    %dma_start3A_360 = arith.constant 0 : i32
    %dma_start3A_361 = tpu.memref_slice %arg6[%dma_start3A_350, %dma_start3A_359, %dma_start3A_360] : memref<5x128x128xf32, #tpu.memory_space<vmem>> -> memref<1x128x128xf32, #tpu.memory_space<vmem>>
    %dma_start3A_362 = tpu.memref_squeeze %dma_start3A_361 : memref<1x128x128xf32, #tpu.memory_space<vmem>> -> memref<128x128xf32, #tpu.memory_space<vmem>>
    tpu.enqueue_dma source(%dma_start3A_362 : memref<128x128xf32, #tpu.memory_space<vmem>>) target(%dma_start3A_358 : memref<128x128xf32, #tpu.memory_space<hbm>>) target_semaphore(%arg13 : memref<!tpu.dma_semaphore, #tpu.memory_space<semaphore_mem>>)
    %add3A_363 = arith.constant 5632 : i32
    %add3A_364 = arith.addi %mul3A_2, %add3A_363 : i32
    %dma_wait3A_365 = arith.constant 4 : i32
    %dma_wait3A_366 = arith.constant 0 : i32
    %dma_wait3A_367 = arith.constant 0 : i32
    %dma_wait3A_368 = tpu.memref_slice %arg6[%dma_wait3A_365, %dma_wait3A_366, %dma_wait3A_367] : memref<5x128x128xf32, #tpu.memory_space<vmem>> -> memref<1x128x128xf32, #tpu.memory_space<vmem>>
    %dma_wait3A_369 = tpu.memref_squeeze %dma_wait3A_368 : memref<1x128x128xf32, #tpu.memory_space<vmem>> -> memref<128x128xf32, #tpu.memory_space<vmem>>
    %dma_wait3A_370 = arith.constant 0 : i32
    %dma_wait3A_371 = tpu.memref_slice %arg4[%add3A_364, %dma_wait3A_370] : memref<204800x128xf32, #tpu.memory_space<hbm>> -> memref<128x128xf32, #tpu.memory_space<hbm>>
    %dma_wait3A_372 = arith.constant 0 : i32
    %dma_wait3A_373 = tpu.memref_slice %arg4[%add3A_364, %dma_wait3A_372] : memref<204800x128xf32, #tpu.memory_space<hbm>> -> memref<128x128xf32, #tpu.memory_space<hbm>>
    %dma_wait3A_374 = arith.constant 0 : i32
    %dma_wait3A_375 = arith.constant 0 : i32
    %dma_wait3A_376 = tpu.memref_slice %arg6[%dma_wait3A_365, %dma_wait3A_374, %dma_wait3A_375] : memref<5x128x128xf32, #tpu.memory_space<vmem>> -> memref<1x128x128xf32, #tpu.memory_space<vmem>>
    %dma_wait3A_377 = tpu.memref_squeeze %dma_wait3A_376 : memref<1x128x128xf32, #tpu.memory_space<vmem>> -> memref<128x128xf32, #tpu.memory_space<vmem>>
    tpu.wait_dma2 semaphore(%arg16 : memref<!tpu.dma_semaphore, #tpu.memory_space<semaphore_mem>>) src(%dma_wait3A_377 : memref<128x128xf32, #tpu.memory_space<vmem>>) dst(%dma_wait3A_373 : memref<128x128xf32, #tpu.memory_space<hbm>>)
    %dma_start3A_378 = arith.constant 49 : i32
    %dma_start3A_379 = arith.constant 4 : i32
    %dma_start3A_380 = arith.constant 0 : i32
    %dma_start3A_381 = arith.constant 0 : i32
    %dma_start3A_382 = tpu.memref_slice %arg6[%dma_start3A_379, %dma_start3A_380, %dma_start3A_381] : memref<5x128x128xf32, #tpu.memory_space<vmem>> -> memref<1x128x128xf32, #tpu.memory_space<vmem>>
    %dma_start3A_383 = tpu.memref_squeeze %dma_start3A_382 : memref<1x128x128xf32, #tpu.memory_space<vmem>> -> memref<128x128xf32, #tpu.memory_space<vmem>>
    %dma_start3A_384 = arith.constant 0 : i32
    %dma_start3A_385 = tpu.memref_slice %arg5[%dma_start3A_378, %dma_start3A_384] : memref<50x128xi32, #tpu.memory_space<vmem>> -> memref<1x128xi32, #tpu.memory_space<vmem>>
    %dma_start3A_386 = tpu.memref_squeeze %dma_start3A_385 : memref<1x128xi32, #tpu.memory_space<vmem>> -> memref<128xi32, #tpu.memory_space<vmem>>
    %dma_start3A_387 = arith.constant 0 : i32
    %dma_start3A_388 = arith.constant 0 : i32
    %dma_start3A_389 = tpu.memref_slice %arg3[%dma_start3A_387, %dma_start3A_388] : memref<100000x128xf32, #tpu.memory_space<hbm>> -> memref<100000x128xf32, #tpu.memory_space<hbm>>
    tpu.enqueue_indirect_dma source(%dma_start3A_389 : memref<100000x128xf32, #tpu.memory_space<hbm>>) target(%dma_start3A_383 : memref<128x128xf32, #tpu.memory_space<vmem>>) offsets(%dma_start3A_386 : memref<128xi32, #tpu.memory_space<vmem>>) semaphore(%arg11 : memref<!tpu.dma_semaphore, #tpu.memory_space<semaphore_mem>>)
    %dma_wait3A_390 = arith.constant 47 : i32
    %dma_wait3A_391 = arith.constant 2 : i32
    %dma_wait3A_392 = arith.constant 0 : i32
    %dma_wait3A_393 = arith.constant 0 : i32
    %dma_wait3A_394 = tpu.memref_slice %arg6[%dma_wait3A_391, %dma_wait3A_392, %dma_wait3A_393] : memref<5x128x128xf32, #tpu.memory_space<vmem>> -> memref<1x128x128xf32, #tpu.memory_space<vmem>>
    %dma_wait3A_395 = tpu.memref_squeeze %dma_wait3A_394 : memref<1x128x128xf32, #tpu.memory_space<vmem>> -> memref<128x128xf32, #tpu.memory_space<vmem>>
    %dma_wait3A_396 = arith.constant 0 : i32
    %dma_wait3A_397 = tpu.memref_slice %arg5[%dma_wait3A_390, %dma_wait3A_396] : memref<50x128xi32, #tpu.memory_space<vmem>> -> memref<1x128xi32, #tpu.memory_space<vmem>>
    %dma_wait3A_398 = tpu.memref_squeeze %dma_wait3A_397 : memref<1x128xi32, #tpu.memory_space<vmem>> -> memref<128xi32, #tpu.memory_space<vmem>>
    %dma_wait3A_399 = arith.constant 0 : i32
    %dma_wait3A_400 = arith.constant 0 : i32
    %dma_wait3A_401 = tpu.memref_slice %arg3[%dma_wait3A_399, %dma_wait3A_400] : memref<100000x128xf32, #tpu.memory_space<hbm>> -> memref<100000x128xf32, #tpu.memory_space<hbm>>
    tpu.wait_indirect_dma semaphore(%arg9 : memref<!tpu.dma_semaphore, #tpu.memory_space<semaphore_mem>>) src(%dma_wait3A_401 : memref<100000x128xf32, #tpu.memory_space<hbm>>) dst(%dma_wait3A_395 : memref<128x128xf32, #tpu.memory_space<vmem>>)
    %add3A_402 = arith.constant 6016 : i32
    %add3A_403 = arith.addi %mul3A_2, %add3A_402 : i32
    %dma_start3A_404 = arith.constant 2 : i32
    %dma_start3A_405 = arith.constant 0 : i32
    %dma_start3A_406 = arith.constant 0 : i32
    %dma_start3A_407 = tpu.memref_slice %arg6[%dma_start3A_404, %dma_start3A_405, %dma_start3A_406] : memref<5x128x128xf32, #tpu.memory_space<vmem>> -> memref<1x128x128xf32, #tpu.memory_space<vmem>>
    %dma_start3A_408 = tpu.memref_squeeze %dma_start3A_407 : memref<1x128x128xf32, #tpu.memory_space<vmem>> -> memref<128x128xf32, #tpu.memory_space<vmem>>
    %dma_start3A_409 = arith.constant 0 : i32
    %dma_start3A_410 = tpu.memref_slice %arg4[%add3A_403, %dma_start3A_409] : memref<204800x128xf32, #tpu.memory_space<hbm>> -> memref<128x128xf32, #tpu.memory_space<hbm>>
    %dma_start3A_411 = arith.constant 0 : i32
    %dma_start3A_412 = tpu.memref_slice %arg4[%add3A_403, %dma_start3A_411] : memref<204800x128xf32, #tpu.memory_space<hbm>> -> memref<128x128xf32, #tpu.memory_space<hbm>>
    %dma_start3A_413 = arith.constant 0 : i32
    %dma_start3A_414 = arith.constant 0 : i32
    %dma_start3A_415 = tpu.memref_slice %arg6[%dma_start3A_404, %dma_start3A_413, %dma_start3A_414] : memref<5x128x128xf32, #tpu.memory_space<vmem>> -> memref<1x128x128xf32, #tpu.memory_space<vmem>>
    %dma_start3A_416 = tpu.memref_squeeze %dma_start3A_415 : memref<1x128x128xf32, #tpu.memory_space<vmem>> -> memref<128x128xf32, #tpu.memory_space<vmem>>
    tpu.enqueue_dma source(%dma_start3A_416 : memref<128x128xf32, #tpu.memory_space<vmem>>) target(%dma_start3A_412 : memref<128x128xf32, #tpu.memory_space<hbm>>) target_semaphore(%arg14 : memref<!tpu.dma_semaphore, #tpu.memory_space<semaphore_mem>>)
    %dma_wait3A_417 = arith.constant 48 : i32
    %dma_wait3A_418 = arith.constant 3 : i32
    %dma_wait3A_419 = arith.constant 0 : i32
    %dma_wait3A_420 = arith.constant 0 : i32
    %dma_wait3A_421 = tpu.memref_slice %arg6[%dma_wait3A_418, %dma_wait3A_419, %dma_wait3A_420] : memref<5x128x128xf32, #tpu.memory_space<vmem>> -> memref<1x128x128xf32, #tpu.memory_space<vmem>>
    %dma_wait3A_422 = tpu.memref_squeeze %dma_wait3A_421 : memref<1x128x128xf32, #tpu.memory_space<vmem>> -> memref<128x128xf32, #tpu.memory_space<vmem>>
    %dma_wait3A_423 = arith.constant 0 : i32
    %dma_wait3A_424 = tpu.memref_slice %arg5[%dma_wait3A_417, %dma_wait3A_423] : memref<50x128xi32, #tpu.memory_space<vmem>> -> memref<1x128xi32, #tpu.memory_space<vmem>>
    %dma_wait3A_425 = tpu.memref_squeeze %dma_wait3A_424 : memref<1x128xi32, #tpu.memory_space<vmem>> -> memref<128xi32, #tpu.memory_space<vmem>>
    %dma_wait3A_426 = arith.constant 0 : i32
    %dma_wait3A_427 = arith.constant 0 : i32
    %dma_wait3A_428 = tpu.memref_slice %arg3[%dma_wait3A_426, %dma_wait3A_427] : memref<100000x128xf32, #tpu.memory_space<hbm>> -> memref<100000x128xf32, #tpu.memory_space<hbm>>
    tpu.wait_indirect_dma semaphore(%arg10 : memref<!tpu.dma_semaphore, #tpu.memory_space<semaphore_mem>>) src(%dma_wait3A_428 : memref<100000x128xf32, #tpu.memory_space<hbm>>) dst(%dma_wait3A_422 : memref<128x128xf32, #tpu.memory_space<vmem>>)
    %add3A_429 = arith.constant 6144 : i32
    %add3A_430 = arith.addi %mul3A_2, %add3A_429 : i32
    %dma_start3A_431 = arith.constant 3 : i32
    %dma_start3A_432 = arith.constant 0 : i32
    %dma_start3A_433 = arith.constant 0 : i32
    %dma_start3A_434 = tpu.memref_slice %arg6[%dma_start3A_431, %dma_start3A_432, %dma_start3A_433] : memref<5x128x128xf32, #tpu.memory_space<vmem>> -> memref<1x128x128xf32, #tpu.memory_space<vmem>>
    %dma_start3A_435 = tpu.memref_squeeze %dma_start3A_434 : memref<1x128x128xf32, #tpu.memory_space<vmem>> -> memref<128x128xf32, #tpu.memory_space<vmem>>
    %dma_start3A_436 = arith.constant 0 : i32
    %dma_start3A_437 = tpu.memref_slice %arg4[%add3A_430, %dma_start3A_436] : memref<204800x128xf32, #tpu.memory_space<hbm>> -> memref<128x128xf32, #tpu.memory_space<hbm>>
    %dma_start3A_438 = arith.constant 0 : i32
    %dma_start3A_439 = tpu.memref_slice %arg4[%add3A_430, %dma_start3A_438] : memref<204800x128xf32, #tpu.memory_space<hbm>> -> memref<128x128xf32, #tpu.memory_space<hbm>>
    %dma_start3A_440 = arith.constant 0 : i32
    %dma_start3A_441 = arith.constant 0 : i32
    %dma_start3A_442 = tpu.memref_slice %arg6[%dma_start3A_431, %dma_start3A_440, %dma_start3A_441] : memref<5x128x128xf32, #tpu.memory_space<vmem>> -> memref<1x128x128xf32, #tpu.memory_space<vmem>>
    %dma_start3A_443 = tpu.memref_squeeze %dma_start3A_442 : memref<1x128x128xf32, #tpu.memory_space<vmem>> -> memref<128x128xf32, #tpu.memory_space<vmem>>
    tpu.enqueue_dma source(%dma_start3A_443 : memref<128x128xf32, #tpu.memory_space<vmem>>) target(%dma_start3A_439 : memref<128x128xf32, #tpu.memory_space<hbm>>) target_semaphore(%arg15 : memref<!tpu.dma_semaphore, #tpu.memory_space<semaphore_mem>>)
    %dma_wait3A_444 = arith.constant 49 : i32
    %dma_wait3A_445 = arith.constant 4 : i32
    %dma_wait3A_446 = arith.constant 0 : i32
    %dma_wait3A_447 = arith.constant 0 : i32
    %dma_wait3A_448 = tpu.memref_slice %arg6[%dma_wait3A_445, %dma_wait3A_446, %dma_wait3A_447] : memref<5x128x128xf32, #tpu.memory_space<vmem>> -> memref<1x128x128xf32, #tpu.memory_space<vmem>>
    %dma_wait3A_449 = tpu.memref_squeeze %dma_wait3A_448 : memref<1x128x128xf32, #tpu.memory_space<vmem>> -> memref<128x128xf32, #tpu.memory_space<vmem>>
    %dma_wait3A_450 = arith.constant 0 : i32
    %dma_wait3A_451 = tpu.memref_slice %arg5[%dma_wait3A_444, %dma_wait3A_450] : memref<50x128xi32, #tpu.memory_space<vmem>> -> memref<1x128xi32, #tpu.memory_space<vmem>>
    %dma_wait3A_452 = tpu.memref_squeeze %dma_wait3A_451 : memref<1x128xi32, #tpu.memory_space<vmem>> -> memref<128xi32, #tpu.memory_space<vmem>>
    %dma_wait3A_453 = arith.constant 0 : i32
    %dma_wait3A_454 = arith.constant 0 : i32
    %dma_wait3A_455 = tpu.memref_slice %arg3[%dma_wait3A_453, %dma_wait3A_454] : memref<100000x128xf32, #tpu.memory_space<hbm>> -> memref<100000x128xf32, #tpu.memory_space<hbm>>
    tpu.wait_indirect_dma semaphore(%arg11 : memref<!tpu.dma_semaphore, #tpu.memory_space<semaphore_mem>>) src(%dma_wait3A_455 : memref<100000x128xf32, #tpu.memory_space<hbm>>) dst(%dma_wait3A_449 : memref<128x128xf32, #tpu.memory_space<vmem>>)
    %add3A_456 = arith.constant 6272 : i32
    %add3A_457 = arith.addi %mul3A_2, %add3A_456 : i32
    %dma_start3A_458 = arith.constant 4 : i32
    %dma_start3A_459 = arith.constant 0 : i32
    %dma_start3A_460 = arith.constant 0 : i32
    %dma_start3A_461 = tpu.memref_slice %arg6[%dma_start3A_458, %dma_start3A_459, %dma_start3A_460] : memref<5x128x128xf32, #tpu.memory_space<vmem>> -> memref<1x128x128xf32, #tpu.memory_space<vmem>>
    %dma_start3A_462 = tpu.memref_squeeze %dma_start3A_461 : memref<1x128x128xf32, #tpu.memory_space<vmem>> -> memref<128x128xf32, #tpu.memory_space<vmem>>
    %dma_start3A_463 = arith.constant 0 : i32
    %dma_start3A_464 = tpu.memref_slice %arg4[%add3A_457, %dma_start3A_463] : memref<204800x128xf32, #tpu.memory_space<hbm>> -> memref<128x128xf32, #tpu.memory_space<hbm>>
    %dma_start3A_465 = arith.constant 0 : i32
    %dma_start3A_466 = tpu.memref_slice %arg4[%add3A_457, %dma_start3A_465] : memref<204800x128xf32, #tpu.memory_space<hbm>> -> memref<128x128xf32, #tpu.memory_space<hbm>>
    %dma_start3A_467 = arith.constant 0 : i32
    %dma_start3A_468 = arith.constant 0 : i32
    %dma_start3A_469 = tpu.memref_slice %arg6[%dma_start3A_458, %dma_start3A_467, %dma_start3A_468] : memref<5x128x128xf32, #tpu.memory_space<vmem>> -> memref<1x128x128xf32, #tpu.memory_space<vmem>>
    %dma_start3A_470 = tpu.memref_squeeze %dma_start3A_469 : memref<1x128x128xf32, #tpu.memory_space<vmem>> -> memref<128x128xf32, #tpu.memory_space<vmem>>
    tpu.enqueue_dma source(%dma_start3A_470 : memref<128x128xf32, #tpu.memory_space<vmem>>) target(%dma_start3A_466 : memref<128x128xf32, #tpu.memory_space<hbm>>) target_semaphore(%arg16 : memref<!tpu.dma_semaphore, #tpu.memory_space<semaphore_mem>>)
    %add3A_471 = arith.constant 5760 : i32
    %add3A_472 = arith.addi %mul3A_2, %add3A_471 : i32
    %dma_wait3A_473 = arith.constant 0 : i32
    %dma_wait3A_474 = arith.constant 0 : i32
    %dma_wait3A_475 = arith.constant 0 : i32
    %dma_wait3A_476 = tpu.memref_slice %arg6[%dma_wait3A_473, %dma_wait3A_474, %dma_wait3A_475] : memref<5x128x128xf32, #tpu.memory_space<vmem>> -> memref<1x128x128xf32, #tpu.memory_space<vmem>>
    %dma_wait3A_477 = tpu.memref_squeeze %dma_wait3A_476 : memref<1x128x128xf32, #tpu.memory_space<vmem>> -> memref<128x128xf32, #tpu.memory_space<vmem>>
    %dma_wait3A_478 = arith.constant 0 : i32
    %dma_wait3A_479 = tpu.memref_slice %arg4[%add3A_472, %dma_wait3A_478] : memref<204800x128xf32, #tpu.memory_space<hbm>> -> memref<128x128xf32, #tpu.memory_space<hbm>>
    %dma_wait3A_480 = arith.constant 0 : i32
    %dma_wait3A_481 = tpu.memref_slice %arg4[%add3A_472, %dma_wait3A_480] : memref<204800x128xf32, #tpu.memory_space<hbm>> -> memref<128x128xf32, #tpu.memory_space<hbm>>
    %dma_wait3A_482 = arith.constant 0 : i32
    %dma_wait3A_483 = arith.constant 0 : i32
    %dma_wait3A_484 = tpu.memref_slice %arg6[%dma_wait3A_473, %dma_wait3A_482, %dma_wait3A_483] : memref<5x128x128xf32, #tpu.memory_space<vmem>> -> memref<1x128x128xf32, #tpu.memory_space<vmem>>
    %dma_wait3A_485 = tpu.memref_squeeze %dma_wait3A_484 : memref<1x128x128xf32, #tpu.memory_space<vmem>> -> memref<128x128xf32, #tpu.memory_space<vmem>>
    tpu.wait_dma2 semaphore(%arg12 : memref<!tpu.dma_semaphore, #tpu.memory_space<semaphore_mem>>) src(%dma_wait3A_485 : memref<128x128xf32, #tpu.memory_space<vmem>>) dst(%dma_wait3A_481 : memref<128x128xf32, #tpu.memory_space<hbm>>)
    %add3A_486 = arith.constant 5888 : i32
    %add3A_487 = arith.addi %mul3A_2, %add3A_486 : i32
    %dma_wait3A_488 = arith.constant 1 : i32
    %dma_wait3A_489 = arith.constant 0 : i32
    %dma_wait3A_490 = arith.constant 0 : i32
    %dma_wait3A_491 = tpu.memref_slice %arg6[%dma_wait3A_488, %dma_wait3A_489, %dma_wait3A_490] : memref<5x128x128xf32, #tpu.memory_space<vmem>> -> memref<1x128x128xf32, #tpu.memory_space<vmem>>
    %dma_wait3A_492 = tpu.memref_squeeze %dma_wait3A_491 : memref<1x128x128xf32, #tpu.memory_space<vmem>> -> memref<128x128xf32, #tpu.memory_space<vmem>>
    %dma_wait3A_493 = arith.constant 0 : i32
    %dma_wait3A_494 = tpu.memref_slice %arg4[%add3A_487, %dma_wait3A_493] : memref<204800x128xf32, #tpu.memory_space<hbm>> -> memref<128x128xf32, #tpu.memory_space<hbm>>
    %dma_wait3A_495 = arith.constant 0 : i32
    %dma_wait3A_496 = tpu.memref_slice %arg4[%add3A_487, %dma_wait3A_495] : memref<204800x128xf32, #tpu.memory_space<hbm>> -> memref<128x128xf32, #tpu.memory_space<hbm>>
    %dma_wait3A_497 = arith.constant 0 : i32
    %dma_wait3A_498 = arith.constant 0 : i32
    %dma_wait3A_499 = tpu.memref_slice %arg6[%dma_wait3A_488, %dma_wait3A_497, %dma_wait3A_498] : memref<5x128x128xf32, #tpu.memory_space<vmem>> -> memref<1x128x128xf32, #tpu.memory_space<vmem>>
    %dma_wait3A_500 = tpu.memref_squeeze %dma_wait3A_499 : memref<1x128x128xf32, #tpu.memory_space<vmem>> -> memref<128x128xf32, #tpu.memory_space<vmem>>
    tpu.wait_dma2 semaphore(%arg13 : memref<!tpu.dma_semaphore, #tpu.memory_space<semaphore_mem>>) src(%dma_wait3A_500 : memref<128x128xf32, #tpu.memory_space<vmem>>) dst(%dma_wait3A_496 : memref<128x128xf32, #tpu.memory_space<hbm>>)
    %add3A_501 = arith.constant 6016 : i32
    %add3A_502 = arith.addi %mul3A_2, %add3A_501 : i32
    %dma_wait3A_503 = arith.constant 2 : i32
    %dma_wait3A_504 = arith.constant 0 : i32
    %dma_wait3A_505 = arith.constant 0 : i32
    %dma_wait3A_506 = tpu.memref_slice %arg6[%dma_wait3A_503, %dma_wait3A_504, %dma_wait3A_505] : memref<5x128x128xf32, #tpu.memory_space<vmem>> -> memref<1x128x128xf32, #tpu.memory_space<vmem>>
    %dma_wait3A_507 = tpu.memref_squeeze %dma_wait3A_506 : memref<1x128x128xf32, #tpu.memory_space<vmem>> -> memref<128x128xf32, #tpu.memory_space<vmem>>
    %dma_wait3A_508 = arith.constant 0 : i32
    %dma_wait3A_509 = tpu.memref_slice %arg4[%add3A_502, %dma_wait3A_508] : memref<204800x128xf32, #tpu.memory_space<hbm>> -> memref<128x128xf32, #tpu.memory_space<hbm>>
    %dma_wait3A_510 = arith.constant 0 : i32
    %dma_wait3A_511 = tpu.memref_slice %arg4[%add3A_502, %dma_wait3A_510] : memref<204800x128xf32, #tpu.memory_space<hbm>> -> memref<128x128xf32, #tpu.memory_space<hbm>>
    %dma_wait3A_512 = arith.constant 0 : i32
    %dma_wait3A_513 = arith.constant 0 : i32
    %dma_wait3A_514 = tpu.memref_slice %arg6[%dma_wait3A_503, %dma_wait3A_512, %dma_wait3A_513] : memref<5x128x128xf32, #tpu.memory_space<vmem>> -> memref<1x128x128xf32, #tpu.memory_space<vmem>>
    %dma_wait3A_515 = tpu.memref_squeeze %dma_wait3A_514 : memref<1x128x128xf32, #tpu.memory_space<vmem>> -> memref<128x128xf32, #tpu.memory_space<vmem>>
    tpu.wait_dma2 semaphore(%arg14 : memref<!tpu.dma_semaphore, #tpu.memory_space<semaphore_mem>>) src(%dma_wait3A_515 : memref<128x128xf32, #tpu.memory_space<vmem>>) dst(%dma_wait3A_511 : memref<128x128xf32, #tpu.memory_space<hbm>>)
    %add3A_516 = arith.constant 6144 : i32
    %add3A_517 = arith.addi %mul3A_2, %add3A_516 : i32
    %dma_wait3A_518 = arith.constant 3 : i32
    %dma_wait3A_519 = arith.constant 0 : i32
    %dma_wait3A_520 = arith.constant 0 : i32
    %dma_wait3A_521 = tpu.memref_slice %arg6[%dma_wait3A_518, %dma_wait3A_519, %dma_wait3A_520] : memref<5x128x128xf32, #tpu.memory_space<vmem>> -> memref<1x128x128xf32, #tpu.memory_space<vmem>>
    %dma_wait3A_522 = tpu.memref_squeeze %dma_wait3A_521 : memref<1x128x128xf32, #tpu.memory_space<vmem>> -> memref<128x128xf32, #tpu.memory_space<vmem>>
    %dma_wait3A_523 = arith.constant 0 : i32
    %dma_wait3A_524 = tpu.memref_slice %arg4[%add3A_517, %dma_wait3A_523] : memref<204800x128xf32, #tpu.memory_space<hbm>> -> memref<128x128xf32, #tpu.memory_space<hbm>>
    %dma_wait3A_525 = arith.constant 0 : i32
    %dma_wait3A_526 = tpu.memref_slice %arg4[%add3A_517, %dma_wait3A_525] : memref<204800x128xf32, #tpu.memory_space<hbm>> -> memref<128x128xf32, #tpu.memory_space<hbm>>
    %dma_wait3A_527 = arith.constant 0 : i32
    %dma_wait3A_528 = arith.constant 0 : i32
    %dma_wait3A_529 = tpu.memref_slice %arg6[%dma_wait3A_518, %dma_wait3A_527, %dma_wait3A_528] : memref<5x128x128xf32, #tpu.memory_space<vmem>> -> memref<1x128x128xf32, #tpu.memory_space<vmem>>
    %dma_wait3A_530 = tpu.memref_squeeze %dma_wait3A_529 : memref<1x128x128xf32, #tpu.memory_space<vmem>> -> memref<128x128xf32, #tpu.memory_space<vmem>>
    tpu.wait_dma2 semaphore(%arg15 : memref<!tpu.dma_semaphore, #tpu.memory_space<semaphore_mem>>) src(%dma_wait3A_530 : memref<128x128xf32, #tpu.memory_space<vmem>>) dst(%dma_wait3A_526 : memref<128x128xf32, #tpu.memory_space<hbm>>)
    %add3A_531 = arith.constant 6272 : i32
    %add3A_532 = arith.addi %mul3A_2, %add3A_531 : i32
    %dma_wait3A_533 = arith.constant 4 : i32
    %dma_wait3A_534 = arith.constant 0 : i32
    %dma_wait3A_535 = arith.constant 0 : i32
    %dma_wait3A_536 = tpu.memref_slice %arg6[%dma_wait3A_533, %dma_wait3A_534, %dma_wait3A_535] : memref<5x128x128xf32, #tpu.memory_space<vmem>> -> memref<1x128x128xf32, #tpu.memory_space<vmem>>
    %dma_wait3A_537 = tpu.memref_squeeze %dma_wait3A_536 : memref<1x128x128xf32, #tpu.memory_space<vmem>> -> memref<128x128xf32, #tpu.memory_space<vmem>>
    %dma_wait3A_538 = arith.constant 0 : i32
    %dma_wait3A_539 = tpu.memref_slice %arg4[%add3A_532, %dma_wait3A_538] : memref<204800x128xf32, #tpu.memory_space<hbm>> -> memref<128x128xf32, #tpu.memory_space<hbm>>
    %dma_wait3A_540 = arith.constant 0 : i32
    %dma_wait3A_541 = tpu.memref_slice %arg4[%add3A_532, %dma_wait3A_540] : memref<204800x128xf32, #tpu.memory_space<hbm>> -> memref<128x128xf32, #tpu.memory_space<hbm>>
    %dma_wait3A_542 = arith.constant 0 : i32
    %dma_wait3A_543 = arith.constant 0 : i32
    %dma_wait3A_544 = tpu.memref_slice %arg6[%dma_wait3A_533, %dma_wait3A_542, %dma_wait3A_543] : memref<5x128x128xf32, #tpu.memory_space<vmem>> -> memref<1x128x128xf32, #tpu.memory_space<vmem>>
    %dma_wait3A_545 = tpu.memref_squeeze %dma_wait3A_544 : memref<1x128x128xf32, #tpu.memory_space<vmem>> -> memref<128x128xf32, #tpu.memory_space<vmem>>
    tpu.wait_dma2 semaphore(%arg16 : memref<!tpu.dma_semaphore, #tpu.memory_space<semaphore_mem>>) src(%dma_wait3A_545 : memref<128x128xf32, #tpu.memory_space<vmem>>) dst(%dma_wait3A_541 : memref<128x128xf32, #tpu.memory_space<hbm>>)
    return
  }
}

</mosaic_0001>

<sc_bundles>
// kernel: kernel.3.cloned.1.call-start
scs
__scs_entry_jumppad:
0x0: {  	(pc) =	sbr.rel $0x88, $3  }
0x1: {  	(tag) =	ssettag $0x0;
	lr =	simm.s32 $0x1  }
0x2: {  	[smem:$0x3F9F] =	sst lr;
	_ =	strace $0xD0000000  }
0x3: {  	_ = 	snop  }
0x4: {  	_ = 	snop  }
0x5: {  	_ = 	snop  }
0x6: {  	_ = 	snop  }
0x7: {  	_ = 	snop  }
__scs_overlays_trampoline_lowered:
0x8: {  	[smem:$0x3FAE] =	sst s0  }
0x9: {  	[smem:$0x3FAF] =	sst s1  }
0xa: {  	[smem:$0x3FB0] =	sst s2  }
0xb: {  	[smem:$0x3FB1] =	sst s3  }
0xc: {  	[smem:$0x3FB2] =	sst s4  }
0xd: {  	[smem:$0x3FB3] =	sst s5  }
0xe: {  	[smem:$0x3FB4] =	sst s6  }
0xf: {  	[smem:$0x3FB5] =	sst s7  }
0x10: {  	[smem:$0x3FB6] =	sst s8  }
0x11: {  	[smem:$0x3FB7] =	sst s9;
	s0 =	simm.s32 @!p0 $0x0  }
0x12: {  	s1 =	sld [smem:$0x3F9D];
	s0 =	simm.s32 @p0 $0x1  }
0x13: {  	[smem:$0x3FB8] =	sst s0;
	s0 =	simm.s32 @!p1 $0x0  }
0x14: {  	s2 =	sld [smem:$0x3F9C];
	s0 =	simm.s32 @p1 $0x1  }
0x15: {  	[smem:$0x3FB9] =	sst s0;
	s0 =	simm.s32 @!p2 $0x0  }
0x16: {  	s3 =	sld [smem:$0x3FDB];
	s0 =	simm.s32 @p2 $0x1  }
0x17: {  	s4 =	simm.s32 $0x1BF5;
	[smem:$0x3FBB] =	sst s0  }
0x18: {  	s0 =	sld [smem:$0x3F9E];
	_ =	swait.ge [sflag:s4], $0x0  }
0x19: {  	s7 =	sld [smem:$0x3F9F]  }
0x1a: {  	s8 =	sadd.s32 $0xFFFFE003, lr  }
0x1b: {  	s9 =	sadd.s32 $0xFFFFFEF7, lr;
	s5 =	simm.s32 $0xFFFFFFFF;
	p2 =	slt.u32 s8, $0xFFFFF086  }
0x1c: {  	p1 =	slt.u32 s9, $0xF7A;
	s5 =	simm.s32 @!p2 $0x0  }
0x1d: {  	s5 =	simm.s32 @p1 $0x1;
	p0 =	seq.s32 s7, s2  }
0x1e: {  	s7 =	smul.u32 @!p0 $0xF7A, s2;
	p2 =	seq.s32 @!p0 s5, $0x0  }
0x1f: {  	s9 =	smul.u32 $0xF7A, s1;
	s8 =	simm.s32 @!p0 $0x1BF5;
	p2 =	por !p2, p0  }
0x20: {  	[sflag:s8] =	ssyncset.s32 @!p0 $0xFFFFF086;
	s6 =	sadd.s32 @!p0 s3, s7;
	s7 =	simm.s32 @!p0 $0x108  }
0x21: {  	s3 =	sadd.s32 s3, s9;
	s6 =	sadd.s32 @!p0 $0x88, s6;
	s7 =	simm.s32 @p2 $0x1082  }
0x22: {  	[simem:s7], [sflag:s8] =	dma.local @!p0 [hbm:s6], $0xF7A  }
0x23: {  	s9 =	sor.u32 $0xD0000000, s2;
	s6 =	simm.s32 $0x108;
	_ =	swait.ge @!p0 [sflag:s8], $0x0  }
0x24: {  	s3 =	sadd.s32 $0x88, s3;
	s6 =	simm.s32 @!p1 $0x1082;
	[sflag:s4] =	ssyncset.s32 $0xFFFFF086  }
0x25: {  	[simem:s6], [sflag:s4] =	dma.local [hbm:s3], $0xF7A  }
0x26: {  	[smem:$0x3F9F] =	sst s1;
	(tag) =	ssettag s2;
	_ =	strace s9  }
0x27: {  	s1 =	sld [smem:$0x3FAF]  }
0x28: {  	s2 =	sld [smem:$0x3FB0]  }
0x29: {  	s4 =	sld [smem:$0x3FB2]  }
0x2a: {  	p0 =	seq.s32 s5, $0x0;
	s5 =	sld [smem:$0x3FB3]  }
0x2b: {  	s6 =	sld [smem:$0x3FB4]  }
0x2c: {  	s7 =	sld [smem:$0x3FB5]  }
0x2d: {  	s3 =	simm.s32 $0x108;
	s8 =	sld [smem:$0x3FB6]  }
0x2e: {  	s3 =	simm.s32 @!p0 $0x1082;
	s9 =	sld [smem:$0x3FB7]  }
0x2f: {  	lr =	sadd.s32 s0, s3;
	s0 =	sld [smem:$0x3FAE]  }
0x30: {  	s3 =	sld [smem:$0x3FB1]  }
0x31: {  	[smem:$0x3FBA] =	sst s10  }
0x32: {  	s10 =	sld [smem:$0x3FB8];
	_ =	sdelay $0x3  }
0x33: {  	p0 =	seq.s32 s10, $0x1;
	s10 =	sld [smem:$0x3FBA];
	_ =	sdelay $0x3  }
0x34: {  	[smem:$0x3FBA] =	sst s10  }
0x35: {  	s10 =	sld [smem:$0x3FB9];
	_ =	sdelay $0x3  }
0x36: {  	p1 =	seq.s32 s10, $0x1;
	s10 =	sld [smem:$0x3FBA];
	_ =	sdelay $0x3  }
0x37: {  	[smem:$0x3FBA] =	sst s10  }
0x38: {  	s10 =	sld [smem:$0x3FBB]  }
0x39: {  	_ = 	snop;
	(pc) =	sbr.ind lr, $3  }
0x3a: {  	_ = 	snop  }
0x3b: {  	_ = 	snop  }
0x3c: {  	p2 =	seq.s32 s10, $0x1;
	s10 =	sld [smem:$0x3FBA]  }
0x3d: {  	_ =	shalt  }
0x3e: {  	_ =	shalt  }
0x3f: {  	_ =	shalt  }
0x40: {  	_ =	shalt  }
0x41: {  	_ =	shalt  }
0x42: {  	_ =	shalt  }
0x43: {  	_ =	shalt  }
0x44: {  	_ =	shalt  }
0x45: {  	_ =	shalt  }
0x46: {  	_ =	shalt  }
0x47: {  	_ =	shalt  }
0x48: {  	_ =	shalt  }
0x49: {  	_ =	shalt  }
0x4a: {  	_ =	shalt  }
0x4b: {  	_ =	shalt  }
0x4c: {  	_ =	shalt  }
0x4d: {  	_ =	shalt  }
0x4e: {  	_ =	shalt  }
0x4f: {  	_ =	shalt  }
0x50: {  	_ =	shalt  }
0x51: {  	_ =	shalt  }
0x52: {  	_ =	shalt  }
0x53: {  	_ =	shalt  }
0x54: {  	_ =	shalt  }
0x55: {  	_ =	shalt  }
0x56: {  	_ =	shalt  }
0x57: {  	_ =	shalt  }
0x58: {  	_ =	shalt  }
0x59: {  	_ =	shalt  }
0x5a: {  	_ =	shalt  }
0x5b: {  	_ =	shalt  }
0x5c: {  	_ =	shalt  }
0x5d: {  	_ =	shalt  }
0x5e: {  	_ =	shalt  }
0x5f: {  	_ =	shalt  }
0x60: {  	_ =	shalt  }
0x61: {  	_ =	shalt  }
0x62: {  	_ =	shalt  }
0x63: {  	_ =	shalt  }
0x64: {  	_ =	shalt  }
0x65: {  	_ =	shalt  }
0x66: {  	_ =	shalt  }
0x67: {  	_ =	shalt  }
0x68: {  	_ =	shalt  }
0x69: {  	_ =	shalt  }
0x6a: {  	_ =	shalt  }
0x6b: {  	_ =	shalt  }
0x6c: {  	_ =	shalt  }
0x6d: {  	_ =	shalt  }
0x6e: {  	_ =	shalt  }
0x6f: {  	_ =	shalt  }
0x70: {  	_ =	shalt  }
0x71: {  	_ =	shalt  }
0x72: {  	_ =	shalt  }
0x73: {  	_ =	shalt  }
0x74: {  	_ =	shalt  }
0x75: {  	_ =	shalt  }
0x76: {  	_ =	shalt  }
0x77: {  	_ =	shalt  }
0x78: {  	_ =	shalt  }
0x79: {  	_ =	shalt  }
0x7a: {  	_ =	shalt  }
0x7b: {  	_ =	shalt  }
0x7c: {  	_ =	shalt  }
0x7d: {  	_ =	shalt  }
0x7e: {  	_ =	shalt  }
0x7f: {  	_ =	shalt  }
0x80: {  	_ =	shalt  }
0x81: {  	_ =	shalt  }
0x82: {  	_ =	shalt  }
0x83: {  	_ =	shalt  }
0x84: {  	_ =	shalt  }
0x85: {  	_ =	shalt  }
0x86: {  	_ =	shalt  }
0x87: {  	_ =	shalt  }
.Lfunc_end0:
.L_simem_size_0:
called_computation_lowered:
.L_overlay_start_0:
0x88: {  	s2 =	sld [smem:$0x3FD9]  }
0x89: {  	s3 =	sld [smem:$0x3FFE];
	_ =	sdelay $0x1  }
0x8a: {  	s1 =	srdreg.scid  }
0x8b: {  	s0 =	sand.u32 $0x1, s1  }
0x8c: {  	s17 =	sshll.u32 s0, $0xA;
	s2 =	sadd.s32 s3, s2  }
0x8d: {  	s2 =	sadd.s32 s2, s17  }
0x8e: {  	[smem:$0x3FC6] =	sst s2  }
0x8f: {  	_ = 	snop  }
0x90: {  	s2 =	sld [smem:$0x3FC8]  }
0x91: {  	s18 =	sld [smem:$0x3FD0];
	(tm) =	ssettm $0x1  }
0x92: {  	s4 =	sld [smem:$0x3FFB];
	_ =	sdelay $0x3  }
0x93: {  	_ =	strace s4  }
0x94: {  	s4 =	sld [smem:$0x3FFC];
	_ =	sdelay $0x3  }
0x95: {  	_ =	strace s4  }
0x96: {  	s4 =	sld [smem:$0x3FFD];
	_ =	sdelay $0x3  }
0x97: {  	_ =	strace s4  }
0x98: {  	_ =	strace $0x8FFFFFFF  }
0x99: {  	s19 =	sld [smem:$0x3FDB];
	_ =	sdelay $0x1  }
0x9a: {  	s5 =	simm.s32 $_scs_section_size  }
0x9b: {  	s6 =	simm.s32 $_size__tile_overlayer_lowered;
	s7 =	simm.s32 $_tile_overlayer_lowered  }
0x9c: {  	s22 =	simm.s32 $0x1BFF;
	s21 =	sshll.u32 s7, $0x1;
	s4 =	sadd.s32 s5, s19  }
0x9d: {  	s8 =	simm.s32 $0x0;
	s20 =	sshll.u32 s6, $0x1;
	s6 =	sadd.s32 s21, s4  }
0x9e: {  	[timem:s8], [sflag:s22] =	dma.local [hbm:s6], s20  }
0x9f: {  	_ =	swait.ge [sflag:s22], s20  }
0xa0: {  	s5 =	ssub.s32 $0x0, s20;
	[sflag:s22] =	ssyncset.done $0x0  }
0xa1: {  	[sflag:s22] =	ssyncadd.s32 s5;
	_ =	sdelay $0x1  }
0xa2: {  	s23 =	simm.s32 $0x1B8B  }
0xa3: {  	_ =	swait.ge [sflag:s23], $0x1  }
0xa4: {  	[sflag:s23] =	ssyncset.done $0x0  }
0xa5: {  	s25 =	simm.s32 $0x1B8E;
	s24 =	sld [smem:$0x3FFE];
	[sflag:s23] =	ssyncadd.s32 $0xFFFFFFFF  }
0xa6: {  	s26 =	simm.s32 $execute0_lowered;
	[smem:$0x3FD2] =	sst s25  }
0xa7: {  	s6 =	sshll.u32 s26, $0x1;
	_ =	strace $0x80000046;
	[dreg:$0x1] =	wrdreg $0xFFFFFFFF  }
0xa8: {  	s28 =	simm.s32 $_size_execute0_lowered;
	s4 =	sadd.s32 s4, s6;
	[dreg:$0x0] =	wrdreg $0x0  }
0xa9: {  	s6 =	sshll.u32 s28, $0x1;
	[dreg:$0x2] =	wrdreg s4  }
0xaa: {  	[dreg:$0x3] =	wrdreg s6  }
0xab: {  	[dreg:$0x4] =	wrdreg $0xC0  }
0xac: {  	_ =	task [dreg:s8], $0x5FFFF  }
0xad: {  	[dreg:$0x1] =	wrdreg $0xFFFFFFFF  }
0xae: {  	[dreg:$0x0] =	wrdreg $0x60  }
0xaf: {  	[dreg:$0x2] =	wrdreg s24  }
0xb0: {  	[dreg:$0x3] =	wrdreg s2  }
0xb1: {  	[dreg:$0x4] =	wrdreg s18  }
0xb2: {  	[dreg:$0x5] =	wrdreg $0x9  }
0xb3: {  	_ =	task.clear_ibuf [dreg:s8], $0x6FFFF;
	_ =	strace $0x90000046  }
0xb4: {  	s29 =	simm.s32 $0x9;
	_ =	strace $0x80000048  }
0xb5: {  	_ =	swait.ge [sflag:s29], $0x1  }
0xb6: {  	[sflag:s29] =	ssyncadd.s32 $0xFFFFFFFF  }
0xb7: {  	_ =	strace $0x90000048  }
0xb8: {  	_ =	sfence  }
0xb9: {  	s30 =	sld [smem:$0x0];
	_ =	sdelay $0x2  }
0xba: {  	s31 =	sshll.u32 s1, $0xD;
	s1 =	sshrl.u32 s1, $0x2  }
0xbb: {  	s3 =	sand.u32 $0x4000, s31;
	s1 =	sadd.s32 s1, s30  }
0xbc: {  	s0 =	sor.u32 s3, s0;
	s1 =	sshll.u32 s1, $0x11  }
0xbd: {  	s0 =	sor.u32 s1, s0  }
0xbe: {  	s0 =	sadd.s32 $0x8F2B, s0  }
0xbf: {  	[sflag:s0] =	ssyncadd.remote.s32 $0x1  }
0xc0: {  	_ =	sfence.sel $0xFFFF  }
0xc1: {  	[dreg:$0x0] =	wrdreg $0xFFFFFFFF;
	(pc) =	sbr.abs _section_cstart, $3  }
0xc2: {  	[dreg:$0x1] =	wrdreg $0xFFFFFFFF  }
0xc3: {  	_ =	task.clear_ibuf [dreg:s8], $0x2FFFF;
	_ =	strace $0x9FFFFFFF  }
0xc4: {  	(tm) =	ssettm $0x7FFFFFFF  }
0xc5: {  	_ =	shalt  }
tec
execute0_lowered:
.L_overlay_start_1:
0x0: {  	(tag) =	ssettag $0x1  }
0x1: {  	s0 =	rddreg [dreg:$0x0]  }
0x2: {  	s1 =	srdreg.scid;
	s2 =	rddreg [dreg:$0x1]  }
0x3: {  	s9 =	stileid.u32;
	s5 =	rddreg [dreg:$0x2]  }
0x4: {  	s17 =	simm.s32 $0xB;
	s18 =	simm.s32 $0x80;
	s29 =	simm.s32 $0x11C00  }
0x5: {  	s1 =	sand.u32 $0x1, s1;
	s3 =	sshll.u32 s9, $0x1;
	s24 =	smul.u32 $0x32000, s9  }
0x6: {  	s4 =	sor.u32 s1, s3;
	s8 =	ssub.s32 $0x2, s1;
	s1 =	smul.u32 $0x19000, s1  }
0x7: {  	s30 =	simm.s32 $0x3;
	s31 =	simm.s32 $0x6;
	s6 =	smul.u32 $0x380, s4  }
0x8: {  	s28 =	simm.s32 $0x5;
	s3 =	simm.s32 $0x0;
	s7 =	smul.u32 $0xC8000, s4  }
0x9: {  	[smem:$0x7FF] =	sst s3;
	s4 =	smul.u32 $0x19000, s4;
	s19 =	sshrl.u32 s8, $0x1  }
0xa: {  	_ =	strace $0x80000047;
	s0 =	sadd.s32 s6, s0;
	s7 =	sshrl.u32 s7, $0x3  }
0xb: {  	s6 =	ssub.s32 s8, s19;
	s4 =	sadd.s32 s5, s4;
	s19 =	simm.s32 $0x1C00  }
0xc: {  	s7 =	sadd.s32 s5, s7;
	s0 =	sadd.s32 $0x400, s0;
	s20 =	sadd.s32 $0x800, s4  }
0xd: {  	s15 =	smax.u32 s6, $0x1;
	s6 =	simm.s32 $0x0;
	[dreg:$0x4] =	wrdreg s0  }
0xe: {  	[dreg:$0x5] =	wrdreg s20;
	s21 =	sadd.s32 $0x1000, s7;
	s22 =	sadd.s32 $0x1800, s7  }
0xf: {  	s23 =	sadd.s32 $0x2000, s7;
	s25 =	sadd.s32 $0x16800, s7;
	[dreg:$0x6] =	wrdreg s21  }
0x10: {  	s26 =	sadd.s32 $0x17000, s7;
	s12 =	sadd.s32 $0x17800, s7;
	[dreg:$0x7] =	wrdreg s22  }
0x11: {  	s13 =	sadd.s32 $0x18000, s7;
	s0 =	sadd.s32 s24, s5;
	[dreg:$0x8] =	wrdreg s23  }
0x12: {  	s14 =	sadd.s32 $0x18800, s7;
	s20 =	simm.s32 $0x5C00;
	[dreg:$0x9] =	wrdreg s25  }
0x13: {  	s24 =	simm.s32 $0x9;
	s5 =	simm.s32 $0xA;
	[dreg:$0xa] =	wrdreg s26  }
0x14: {  	s0 =	sadd.s32 s1, s0;
	s22 =	simm.s32 $0x9C00;
	s23 =	simm.s32 $0x1  }
0x15: {  	s25 =	simm.s32 $0xDC00;
	s26 =	simm.s32 $0x2;
	s21 =	simm.s32 $0x7  }
0x16: {  	s1 =	simm.s32 $0x8;
	s9 =	sadd.s32 $0x4800, s0;
	s0 =	simm.s32 $0x4  }
.LBB2_1:
0x17: {  	s7 =	rddreg [dreg:$0x4]  }
0x18: {  	[tilespmem:s3], [sflag:$0xB] =	stream.linear.gather [hbm4b:s7+s3], $0x1900, $0x38;
	[tilespmem:$0x15C00] =	vst v63  }
0x19: {  	_ =	swait.ge [sflag:s17], $0x1900  }
0x1a: {  	[sflag:s17] =	ssyncset.done $0x0  }
0x1b: {  	[sflag:s17] =	ssyncadd.s32 $0xFFFFE700  }
0x1c: {  	[tilespmem:s19], [sflag:$0x1] =	stream.indirect.gather [hbm4b:s2+s18], $0x80, s3, s18, $0xb8;
	[tilespmem:$0x15C00] =	vst v63  }
0x1d: {  	_ = 	snop  }
0x1e: {  	[tilespmem:s20], [sflag:$0x2] =	stream.indirect.gather [hbm4b:s2+s18], $0x80, s18, s18, $0xb8;
	[tilespmem:$0x15C00] =	vst v63  }
0x1f: {  	s11 =	simm.s32 $0x100  }
0x20: {  	[tilespmem:s22], [sflag:$0x3] =	stream.indirect.gather [hbm4b:s2+s18], $0x80, s11, s18, $0xb8;
	[tilespmem:$0x15C00] =	vst v63  }
0x21: {  	_ =	swait.ge [sflag:s23], $0x4000  }
0x22: {  	[sflag:s23] =	ssyncset.done $0x0  }
0x23: {  	[sflag:s23] =	ssyncadd.s32 $0xFFFFC000  }
0x24: {  	[hbm4b:s4+s3] =	stream.linear.scatter [tilespmem:s19], [sflag:$0x6], $0x4000, $0x38;
	[tilespmem:$0x15C00] =	vst v63  }
0x25: {  	s16 =	simm.s32 $0x180  }
0x26: {  	[tilespmem:s25], [sflag:$0x4] =	stream.indirect.gather [hbm4b:s2+s18], $0x80, s16, s18, $0xb8;
	[tilespmem:$0x15C00] =	vst v63  }
0x27: {  	_ =	swait.ge [sflag:s26], $0x4000  }
0x28: {  	[sflag:s26] =	ssyncset.done $0x0  }
0x29: {  	s8 =	rddreg [dreg:$0x5];
	[sflag:s26] =	ssyncadd.s32 $0xFFFFC000  }
0x2a: {  	[hbm4b:s8+s3] =	stream.linear.scatter [tilespmem:s20], [sflag:$0x7], $0x4000, $0x38;
	[tilespmem:$0x15C00] =	vst v63  }
0x2b: {  	s10 =	simm.s32 $0x200  }
0x2c: {  	[tilespmem:s29], [sflag:$0x5] =	stream.indirect.gather [hbm4b:s2+s18], $0x80, s10, s18, $0xb8;
	[tilespmem:$0x15C00] =	vst v63  }
0x2d: {  	_ =	swait.ge [sflag:s30], $0x4000  }
0x2e: {  	[sflag:s30] =	ssyncset.done $0x0  }
0x2f: {  	s11 =	rddreg [dreg:$0x6];
	[sflag:s30] =	ssyncadd.s32 $0xFFFFC000  }
0x30: {  	[hbm4b:s11+s3] =	stream.linear.scatter [tilespmem:s22], [sflag:$0x8], $0x4000, $0x38;
	[tilespmem:$0x15C00] =	vst v63  }
0x31: {  	_ =	swait.ge [sflag:s31], $0x4000  }
0x32: {  	[sflag:s31] =	ssyncset.done $0x0  }
0x33: {  	s16 =	simm.s32 $0x280;
	[sflag:s31] =	ssyncadd.s32 $0xFFFFC000  }
0x34: {  	[tilespmem:s19], [sflag:$0x1] =	stream.indirect.gather [hbm4b:s2+s18], $0x80, s16, s18, $0xb8;
	[tilespmem:$0x15C00] =	vst v63  }
0x35: {  	_ =	swait.ge [sflag:s0], $0x4000  }
0x36: {  	[sflag:s0] =	ssyncset.done $0x0  }
0x37: {  	s8 =	rddreg [dreg:$0x7];
	[sflag:s0] =	ssyncadd.s32 $0xFFFFC000  }
0x38: {  	[hbm4b:s8+s3] =	stream.linear.scatter [tilespmem:s25], [sflag:$0x9], $0x4000, $0x38;
	[tilespmem:$0x15C00] =	vst v63  }
0x39: {  	_ =	swait.ge [sflag:s21], $0x4000  }
0x3a: {  	[sflag:s21] =	ssyncset.done $0x0  }
0x3b: {  	s10 =	simm.s32 $0x300;
	[sflag:s21] =	ssyncadd.s32 $0xFFFFC000  }
0x3c: {  	[tilespmem:s20], [sflag:$0x2] =	stream.indirect.gather [hbm4b:s2+s18], $0x80, s10, s18, $0xb8;
	[tilespmem:$0x15C00] =	vst v63  }
0x3d: {  	_ =	swait.ge [sflag:s28], $0x4000  }
0x3e: {  	[sflag:s28] =	ssyncset.done $0x0  }
0x3f: {  	s11 =	rddreg [dreg:$0x8];
	[sflag:s28] =	ssyncadd.s32 $0xFFFFC000  }
0x40: {  	[hbm4b:s11+s3] =	stream.linear.scatter [tilespmem:s29], [sflag:$0xA], $0x4000, $0x38;
	[tilespmem:$0x15C00] =	vst v63  }
0x41: {  	_ =	swait.ge [sflag:s1], $0x4000  }
0x42: {  	[sflag:s1] =	ssyncset.done $0x0  }
0x43: {  	s16 =	simm.s32 $0x380;
	[sflag:s1] =	ssyncadd.s32 $0xFFFFC000  }
0x44: {  	[tilespmem:s22], [sflag:$0x3] =	stream.indirect.gather [hbm4b:s2+s18], $0x80, s16, s18, $0xb8;
	[tilespmem:$0x15C00] =	vst v63  }
0x45: {  	_ =	swait.ge [sflag:s23], $0x4000  }
0x46: {  	[sflag:s23] =	ssyncset.done $0x0  }
0x47: {  	s8 =	sadd.s32 $0xFFFFE000, s9;
	[sflag:s23] =	ssyncadd.s32 $0xFFFFC000  }
0x48: {  	[hbm4b:s8+s3] =	stream.linear.scatter [tilespmem:s19], [sflag:$0x6], $0x4000, $0x38;
	[tilespmem:$0x15C00] =	vst v63  }
0x49: {  	_ =	swait.ge [sflag:s24], $0x4000  }
0x4a: {  	[sflag:s24] =	ssyncset.done $0x0  }
0x4b: {  	s10 =	simm.s32 $0x400;
	[sflag:s24] =	ssyncadd.s32 $0xFFFFC000  }
0x4c: {  	[tilespmem:s25], [sflag:$0x4] =	stream.indirect.gather [hbm4b:s2+s18], $0x80, s10, s18, $0xb8;
	[tilespmem:$0x15C00] =	vst v63  }
0x4d: {  	_ =	swait.ge [sflag:s26], $0x4000  }
0x4e: {  	[sflag:s26] =	ssyncset.done $0x0  }
0x4f: {  	s11 =	sadd.s32 $0xFFFFE800, s9;
	[sflag:s26] =	ssyncadd.s32 $0xFFFFC000  }
0x50: {  	[hbm4b:s11+s3] =	stream.linear.scatter [tilespmem:s20], [sflag:$0x7], $0x4000, $0x38;
	[tilespmem:$0x15C00] =	vst v63  }
0x51: {  	_ =	swait.ge [sflag:s5], $0x4000  }
0x52: {  	[sflag:s5] =	ssyncset.done $0x0  }
0x53: {  	s16 =	simm.s32 $0x480;
	[sflag:s5] =	ssyncadd.s32 $0xFFFFC000  }
0x54: {  	[tilespmem:s29], [sflag:$0x5] =	stream.indirect.gather [hbm4b:s2+s18], $0x80, s16, s18, $0xb8;
	[tilespmem:$0x15C00] =	vst v63  }
0x55: {  	_ =	swait.ge [sflag:s30], $0x4000  }
0x56: {  	[sflag:s30] =	ssyncset.done $0x0  }
0x57: {  	s8 =	sadd.s32 $0xFFFFF000, s9;
	[sflag:s30] =	ssyncadd.s32 $0xFFFFC000  }
0x58: {  	[hbm4b:s8+s3] =	stream.linear.scatter [tilespmem:s22], [sflag:$0x8], $0x4000, $0x38;
	[tilespmem:$0x15C00] =	vst v63  }
0x59: {  	_ =	swait.ge [sflag:s31], $0x4000  }
0x5a: {  	[sflag:s31] =	ssyncset.done $0x0  }
0x5b: {  	s10 =	simm.s32 $0x500;
	[sflag:s31] =	ssyncadd.s32 $0xFFFFC000  }
0x5c: {  	[tilespmem:s19], [sflag:$0x1] =	stream.indirect.gather [hbm4b:s2+s18], $0x80, s10, s18, $0xb8;
	[tilespmem:$0x15C00] =	vst v63  }
0x5d: {  	_ =	swait.ge [sflag:s0], $0x4000  }
0x5e: {  	[sflag:s0] =	ssyncset.done $0x0  }
0x5f: {  	s11 =	sadd.s32 $0xFFFFF800, s9;
	[sflag:s0] =	ssyncadd.s32 $0xFFFFC000  }
0x60: {  	[hbm4b:s11+s3] =	stream.linear.scatter [tilespmem:s25], [sflag:$0x9], $0x4000, $0x38;
	[tilespmem:$0x15C00] =	vst v63  }
0x61: {  	_ =	swait.ge [sflag:s21], $0x4000  }
0x62: {  	[sflag:s21] =	ssyncset.done $0x0  }
0x63: {  	s16 =	simm.s32 $0x580;
	[sflag:s21] =	ssyncadd.s32 $0xFFFFC000  }
0x64: {  	[tilespmem:s20], [sflag:$0x2] =	stream.indirect.gather [hbm4b:s2+s18], $0x80, s16, s18, $0xb8;
	[tilespmem:$0x15C00] =	vst v63  }
0x65: {  	_ =	swait.ge [sflag:s28], $0x4000  }
0x66: {  	s7 =	simm.s32 $0xA00;
	[sflag:s28] =	ssyncset.done $0x0  }
0x67: {  	s8 =	sadd.s32 $0x2800, s9;
	s16 =	smov.u32 s9;
	[sflag:s28] =	ssyncadd.s32 $0xFFFFC000  }
.LBB2_2:
0x68: {  	[hbm4b:s16+s3] =	stream.linear.scatter [tilespmem:s29], [sflag:$0xA], $0x4000, $0x38;
	[tilespmem:$0x15C00] =	vst v63  }
0x69: {  	s10 =	smov.u32 s7;
	s16 =	smov.u32 s8  }
0x6a: {  	p0 =	sne.s32 s7, $0x4600;
	s7 =	sadd.s32 $0xA00, s7;
	_ =	swait.ge [sflag:s1], $0x4000  }
0x6b: {  	s10 =	sshra.s32 s10, $0x2;
	[sflag:s1] =	ssyncset.done $0x0  }
0x6c: {  	s11 =	sadd.s32 $0x380, s10;
	[sflag:s1] =	ssyncadd.s32 $0xFFFFC000  }
0x6d: {  	[tilespmem:s22], [sflag:$0x3] =	stream.indirect.gather [hbm4b:s2+s18], $0x80, s11, s18, $0xb8;
	[tilespmem:$0x15C00] =	vst v63  }
0x6e: {  	_ =	swait.ge [sflag:s23], $0x4000  }
0x6f: {  	[sflag:s23] =	ssyncset.done $0x0  }
0x70: {  	s11 =	sadd.s32 $0xFFFFE000, s8;
	[sflag:s23] =	ssyncadd.s32 $0xFFFFC000  }
0x71: {  	[hbm4b:s11+s3] =	stream.linear.scatter [tilespmem:s19], [sflag:$0x6], $0x4000, $0x38;
	[tilespmem:$0x15C00] =	vst v63  }
0x72: {  	_ =	swait.ge [sflag:s24], $0x4000  }
0x73: {  	[sflag:s24] =	ssyncset.done $0x0  }
0x74: {  	s11 =	sadd.s32 $0x400, s10;
	[sflag:s24] =	ssyncadd.s32 $0xFFFFC000  }
0x75: {  	[tilespmem:s25], [sflag:$0x4] =	stream.indirect.gather [hbm4b:s2+s18], $0x80, s11, s18, $0xb8;
	[tilespmem:$0x15C00] =	vst v63  }
0x76: {  	_ =	swait.ge [sflag:s26], $0x4000  }
0x77: {  	[sflag:s26] =	ssyncset.done $0x0  }
0x78: {  	s11 =	sadd.s32 $0xFFFFE800, s8;
	[sflag:s26] =	ssyncadd.s32 $0xFFFFC000  }
0x79: {  	[hbm4b:s11+s3] =	stream.linear.scatter [tilespmem:s20], [sflag:$0x7], $0x4000, $0x38;
	[tilespmem:$0x15C00] =	vst v63  }
0x7a: {  	_ =	swait.ge [sflag:s5], $0x4000  }
0x7b: {  	[sflag:s5] =	ssyncset.done $0x0  }
0x7c: {  	s11 =	sadd.s32 $0x480, s10;
	[sflag:s5] =	ssyncadd.s32 $0xFFFFC000  }
0x7d: {  	[tilespmem:s29], [sflag:$0x5] =	stream.indirect.gather [hbm4b:s2+s18], $0x80, s11, s18, $0xb8;
	[tilespmem:$0x15C00] =	vst v63  }
0x7e: {  	_ =	swait.ge [sflag:s30], $0x4000  }
0x7f: {  	[sflag:s30] =	ssyncset.done $0x0  }
0x80: {  	s11 =	sadd.s32 $0xFFFFF000, s8;
	[sflag:s30] =	ssyncadd.s32 $0xFFFFC000  }
0x81: {  	[hbm4b:s11+s3] =	stream.linear.scatter [tilespmem:s22], [sflag:$0x8], $0x4000, $0x38;
	[tilespmem:$0x15C00] =	vst v63  }
0x82: {  	_ =	swait.ge [sflag:s31], $0x4000  }
0x83: {  	[sflag:s31] =	ssyncset.done $0x0  }
0x84: {  	s11 =	sadd.s32 $0x500, s10;
	[sflag:s31] =	ssyncadd.s32 $0xFFFFC000  }
0x85: {  	[tilespmem:s19], [sflag:$0x1] =	stream.indirect.gather [hbm4b:s2+s18], $0x80, s11, s18, $0xb8;
	[tilespmem:$0x15C00] =	vst v63  }
0x86: {  	_ =	swait.ge [sflag:s0], $0x4000  }
0x87: {  	[sflag:s0] =	ssyncset.done $0x0  }
0x88: {  	s11 =	sadd.s32 $0xFFFFF800, s8;
	[sflag:s0] =	ssyncadd.s32 $0xFFFFC000  }
0x89: {  	[hbm4b:s11+s3] =	stream.linear.scatter [tilespmem:s25], [sflag:$0x9], $0x4000, $0x38;
	[tilespmem:$0x15C00] =	vst v63  }
0x8a: {  	_ =	swait.ge [sflag:s21], $0x4000  }
0x8b: {  	[sflag:s21] =	ssyncset.done $0x0  }
.Ltmp0:
0x8c: {  	s10 =	sadd.s32 $0x580, s10;
	[sflag:s21] =	ssyncadd.s32 $0xFFFFC000;
	(pc) =	sbr.rel @p0 .LBB2_2-.Ltmp0, $4  }
0x8d: {  	[tilespmem:s20], [sflag:$0x2] =	stream.indirect.gather [hbm4b:s2+s18], $0x80, s10, s18, $0xb8;
	[tilespmem:$0x15C00] =	vst v63  }
0x8e: {  	_ =	swait.ge [sflag:s28], $0x4000  }
0x8f: {  	[sflag:s28] =	ssyncset.done $0x0  }
0x90: {  	s8 =	sadd.s32 $0x2800, s8;
	[sflag:s28] =	ssyncadd.s32 $0xFFFFC000  }
0x91: {  	[hbm4b:s16+s3] =	stream.linear.scatter [tilespmem:s29], [sflag:$0xA], $0x4000, $0x38;
	[tilespmem:$0x15C00] =	vst v63  }
0x92: {  	_ =	swait.ge [sflag:s1], $0x4000  }
0x93: {  	[sflag:s1] =	ssyncset.done $0x0  }
0x94: {  	s7 =	simm.s32 $0x1780;
	[sflag:s1] =	ssyncadd.s32 $0xFFFFC000  }
0x95: {  	[tilespmem:s22], [sflag:$0x3] =	stream.indirect.gather [hbm4b:s2+s18], $0x80, s7, s18, $0xb8;
	[tilespmem:$0x15C00] =	vst v63  }
0x96: {  	_ =	swait.ge [sflag:s23], $0x4000  }
0x97: {  	[sflag:s23] =	ssyncset.done $0x0  }
0x98: {  	s8 =	rddreg [dreg:$0x9];
	[sflag:s23] =	ssyncadd.s32 $0xFFFFC000  }
0x99: {  	[hbm4b:s8+s3] =	stream.linear.scatter [tilespmem:s19], [sflag:$0x6], $0x4000, $0x38;
	[tilespmem:$0x15C00] =	vst v63  }
0x9a: {  	_ =	swait.ge [sflag:s24], $0x4000  }
0x9b: {  	[sflag:s24] =	ssyncset.done $0x0  }
0x9c: {  	s10 =	simm.s32 $0x1800;
	[sflag:s24] =	ssyncadd.s32 $0xFFFFC000  }
0x9d: {  	[tilespmem:s25], [sflag:$0x4] =	stream.indirect.gather [hbm4b:s2+s18], $0x80, s10, s18, $0xb8;
	[tilespmem:$0x15C00] =	vst v63  }
0x9e: {  	_ =	swait.ge [sflag:s26], $0x4000  }
0x9f: {  	[sflag:s26] =	ssyncset.done $0x0  }
0xa0: {  	s11 =	rddreg [dreg:$0xa];
	[sflag:s26] =	ssyncadd.s32 $0xFFFFC000  }
0xa1: {  	[hbm4b:s11+s3] =	stream.linear.scatter [tilespmem:s20], [sflag:$0x7], $0x4000, $0x38;
	[tilespmem:$0x15C00] =	vst v63  }
0xa2: {  	_ =	swait.ge [sflag:s5], $0x4000  }
0xa3: {  	[sflag:s5] =	ssyncset.done $0x0  }
0xa4: {  	s16 =	simm.s32 $0x1880;
	[sflag:s5] =	ssyncadd.s32 $0xFFFFC000  }
0xa5: {  	[tilespmem:s29], [sflag:$0x5] =	stream.indirect.gather [hbm4b:s2+s18], $0x80, s16, s18, $0xb8;
	[tilespmem:$0x15C00] =	vst v63  }
0xa6: {  	_ =	swait.ge [sflag:s30], $0x4000  }
0xa7: {  	[sflag:s30] =	ssyncset.done $0x0  }
0xa8: {  	[sflag:s30] =	ssyncadd.s32 $0xFFFFC000  }
0xa9: {  	[hbm4b:s12+s3] =	stream.linear.scatter [tilespmem:s22], [sflag:$0x8], $0x4000, $0x38;
	[tilespmem:$0x15C00] =	vst v63  }
0xaa: {  	_ =	swait.ge [sflag:s0], $0x4000  }
0xab: {  	[sflag:s0] =	ssyncset.done $0x0  }
0xac: {  	[sflag:s0] =	ssyncadd.s32 $0xFFFFC000  }
0xad: {  	[hbm4b:s13+s3] =	stream.linear.scatter [tilespmem:s25], [sflag:$0x9], $0x4000, $0x38;
	[tilespmem:$0x15C00] =	vst v63  }
0xae: {  	_ =	swait.ge [sflag:s28], $0x4000  }
0xaf: {  	[sflag:s28] =	ssyncset.done $0x0  }
0xb0: {  	[sflag:s28] =	ssyncadd.s32 $0xFFFFC000  }
0xb1: {  	[hbm4b:s14+s3] =	stream.linear.scatter [tilespmem:s29], [sflag:$0xA], $0x4000, $0x38;
	[tilespmem:$0x15C00] =	vst v63  }
0xb2: {  	_ =	swait.ge [sflag:s31], $0x4000  }
0xb3: {  	[sflag:s31] =	ssyncset.done $0x0  }
0xb4: {  	[sflag:s31] =	ssyncadd.s32 $0xFFFFC000  }
0xb5: {  	_ =	swait.ge [sflag:s21], $0x4000  }
0xb6: {  	[sflag:s21] =	ssyncset.done $0x0  }
0xb7: {  	[sflag:s21] =	ssyncadd.s32 $0xFFFFC000  }
0xb8: {  	_ =	swait.ge [sflag:s1], $0x4000  }
0xb9: {  	[sflag:s1] =	ssyncset.done $0x0  }
0xba: {  	s6 =	sadd.s32 $0x1, s6;
	[sflag:s1] =	ssyncadd.s32 $0xFFFFC000  }
0xbb: {  	p0 =	sne.s32 s6, s15;
	_ =	swait.ge [sflag:s24], $0x4000  }
.Ltmp1:
0xbc: {  	[sflag:s24] =	ssyncset.done $0x0;
	(pc) =	sbr.rel @p0 .LBB2_1-.Ltmp1, $4  }
0xbd: {  	[sflag:s24] =	ssyncadd.s32 $0xFFFFC000  }
0xbe: {  	_ =	swait.ge [sflag:s5], $0x4000  }
0xbf: {  	[sflag:s5] =	ssyncset.done $0x0  }
0xc0: {  	[sflag:s5] =	ssyncadd.s32 $0xFFFFC000  }
0xc1: {  	_ =	sfence.sel $0x180000  }
0xc2: {  	[bflag:$0x0] =	sbarrier.arrive $0xFFFF  }
0xc3: {  	_ =	strace $0x90000047  }
0xc4: {  	s0 =	stileid.u32;
	[bflag:$0x2] =	sbarrier.arrive $0xFFFF  }
0xc5: {  	p0 =	sne.s32 s0, $0x0;
	s0 =	rddreg [dreg:$0x3]  }
0xc6: {  	s0 =	sadd.s32 @!p0 $0x100000, s0  }
0xc7: {  	[sflag:s0] =	ssyncadd.tile.s32 @!p0 $0x1;
	_ =	shalt  }
.Lfunc_end2:
_tile_overlayer_lowered:
.L_overlay_start_2:
0xc8: {  	(tag) =	ssettag $0x2  }
0xc9: {  	s0 =	rddreg [dreg:$0x0];
	s2 =	stileid.u32  }
0xca: {  	s1 =	rddreg [dreg:$0x1];
	p0 =	sne.s32 s2, $0x0  }
0xcb: {  	s3 =	rddreg [dreg:$0x2];
	[bflag:$0x3] =	sbarrier.arrive $0xFFFF;
	s2 =	simm.s32 @!p0 $0x1C0B  }
0xcc: {  	[timem:s3], [sflag:s2] =	dma.local @!p0 [hbm:s0], s1  }
0xcd: {  	s0 =	simm.s32 @!p0 $0xB  }
0xce: {  	_ =	swait.ge @!p0 [sflag:s0], s1  }
0xcf: {  	s1 =	ssub.s32 @!p0 $0x0, s1;
	[sflag:s0] =	ssyncset.done @!p0 $0x0  }
0xd0: {  	[sflag:s0] =	ssyncadd.s32 @!p0 s1  }
0xd1: {  	[bflag:$0x3] =	sbarrier.arrive $0xFFFF  }
0xd2: {  	_ =	shalt  }

</sc_bundles>
